<compile_context>
chip_gen: v7x
topology: tpu7x:2x2x1
jax: 0.10.2.dev20260603
libtpu: 0.0.44.dev20260713+nightly
codegen_flags: <defaults>
</compile_context>

<pallas_src>
import jax
import jax.numpy as jnp
from jax import lax
from jax.experimental import pallas as pl
from jax.experimental.pallas import tpu as pltpu
from jax.experimental.pallas import tpu_sc as plsc

DIM = 1024
E = 8
EPS = 1e-09
THRESHOLD = 0.2
CAP = 320
TB = 128
B = 4
N = 2048
NC = N // TB
NCHUNK = B * NC
ROW = E * CAP


def _route_kernel(x_ref, w_ref, idx_ref, val_ref, rec_ref, carry_ref,
                  tri_ref):
    bb = pl.program_id(0)
    j = pl.program_id(1)

    @pl.when(jnp.logical_and(bb == 0, j == 0))
    def _init_tri():
        r = lax.broadcasted_iota(jnp.int32, (TB, TB), 0)
        c = lax.broadcasted_iota(jnp.int32, (TB, TB), 1)
        tri_ref[...] = (r < c).astype(jnp.float32)

    @pl.when(bb > 0)
    def _phase2():
        rec = rec_ref[:, pl.ds(j * TB, TB)]
        i1f = rec[0:1, :]
        p1eff = rec[1:2, :]
        v1 = rec[2:3, :]
        i2f = rec[3:4, :]
        g2n = rec[4:5, :]
        prefix2 = rec[5:6, :]
        flag2 = rec[6:7, :]

        count1 = carry_ref[0:E, 1:2]
        iotaE = lax.broadcasted_iota(jnp.int32, (E, TB), 0)
        c_i2 = jnp.sum(
            jnp.where(iotaE == i2f.astype(jnp.int32), count1, 0.0),
            axis=0, keepdims=True)
        pos2 = (prefix2 + c_i2) * flag2
        ok2 = (pos2 < float(CAP)).astype(jnp.float32)
        v2 = g2n * flag2 * ok2
        p2eff = pos2 * ok2

        tok = lax.broadcasted_iota(jnp.int32, (1, TB), 1)
        base = ((bb - 1) * N + j * TB + tok) * ROW
        k1g = base + i1f.astype(jnp.int32) * CAP + p1eff.astype(jnp.int32)
        k2g = base + i2f.astype(jnp.int32) * CAP + p2eff.astype(jnp.int32)

        idx_ref[0] = jnp.concatenate([k1g, k2g], axis=0)
        val_ref[0] = jnp.concatenate([v1, v2], axis=0)

    @pl.when(bb < B)
    def _phase1():
        xb = x_ref[0]
        w = w_ref[...]
        logits = jnp.dot(xb, w, preferred_element_type=jnp.float32)
        lt = logits.T

        iotaE = lax.broadcasted_iota(jnp.int32, (E, TB), 0)
        m = jnp.max(lt, axis=0, keepdims=True)
        ex = jnp.exp(lt - m)
        g = ex / jnp.sum(ex, axis=0, keepdims=True)

        g1v = jnp.max(g, axis=0, keepdims=True)
        i1 = jnp.min(jnp.where(g == g1v, iotaE, E), axis=0, keepdims=True)
        mask1 = (iotaE == i1).astype(jnp.float32)

        g_wo = g * (1.0 - mask1)
        g2v = jnp.max(g_wo, axis=0, keepdims=True)
        i2 = jnp.min(jnp.where(g_wo == g2v, iotaE, E), axis=0, keepdims=True)

        g1n = g1v / (g1v + g2v + EPS)
        g2n = g2v / (g1n + g2v + EPS)

        mask2 = (iotaE == i2).astype(jnp.float32) * (
            g2n > THRESHOLD).astype(jnp.float32)

        M = jnp.concatenate([mask1, mask2], axis=0)
        excl = jnp.dot(M, tri_ref[...],
                       preferred_element_type=jnp.float32)

        base = jnp.where(j == 0, 0.0, carry_ref[:, 0:1])
        totals = base + jnp.sum(M, axis=1, keepdims=True)
        carry_ref[:, 0:1] = totals

        base1, base2 = base[:E, :], base[E:, :]
        excl1, excl2 = excl[:E, :], excl[E:, :]

        pos1 = (base1 + excl1) * mask1
        mask1k = mask1 * (pos1 < float(CAP)).astype(jnp.float32)
        flat1 = jnp.sum(mask1k, axis=0, keepdims=True)
        p1eff = jnp.sum(pos1 * mask1k, axis=0, keepdims=True)
        v1 = g1n * flat1

        prefix2 = jnp.sum((base2 + excl2) * mask2, axis=0, keepdims=True)
        flag2 = jnp.sum(mask2, axis=0, keepdims=True)

        @pl.when(j == NC - 1)
        def _store_count1():
            carry_ref[0:E, 1:2] = jnp.minimum(totals[:E, :], float(CAP))

        rec_ref[:, pl.ds(j * TB, TB)] = jnp.concatenate(
            [i1.astype(jnp.float32), p1eff, v1, i2.astype(jnp.float32),
             g2n, prefix2, flag2, jnp.zeros((1, TB), jnp.float32)], axis=0)


def _routing_records(x, gating_weights):
    b, n, d = x.shape
    return pl.pallas_call(
        _route_kernel,
        grid=(b + 1, NC),
        in_specs=[
            pl.BlockSpec((1, TB, d),
                         lambda bb, j: (jnp.minimum(bb, B - 1),
                                        jnp.where(bb < B, j, 0), 0)),
            pl.BlockSpec((d, E), lambda bb, j: (0, 0)),
        ],
        out_specs=[
            pl.BlockSpec((1, 2, TB),
                         lambda bb, j: (jnp.where(bb > 0,
                                                  (bb - 1) * NC + j, 0),
                                        0, 0)),
            pl.BlockSpec((1, 2, TB),
                         lambda bb, j: (jnp.where(bb > 0,
                                                  (bb - 1) * NC + j, 0),
                                        0, 0)),
        ],
        out_shape=[
            jax.ShapeDtypeStruct((NCHUNK, 2, TB), jnp.int32),
            jax.ShapeDtypeStruct((NCHUNK, 2, TB), jnp.float32),
        ],
        scratch_shapes=[
            pltpu.VMEM((E, N), jnp.float32),
            pltpu.VMEM((2 * E, 128), jnp.float32),
            pltpu.VMEM((TB, TB), jnp.float32),
        ],
    )(x, gating_weights)


_NUM_SC = 2
_NUM_SUB = 16
_NW = _NUM_SC * _NUM_SUB
_CPW = NCHUNK // _NW
_TOTAL = B * N * ROW
_PERW = _TOTAL // _NW
_ZCHUNK = 65536
_NZC = _PERW // _ZCHUNK


def _materialize_body(idx_hbm, val_hbm, out_hbm, zbuf, idx_v, val_v,
                      semz, sems):
    wid = lax.axis_index("s") * _NUM_SC + lax.axis_index("c")
    base = wid * _PERW

    def _zero_step(i, _):
        zbuf[pl.ds(i * 16, 16)] = jnp.zeros((16,), jnp.float32)
        return 0
    lax.fori_loop(0, _ZCHUNK // 16, _zero_step, 0)

    for z in range(_NZC):
        pltpu.make_async_copy(
            zbuf, out_hbm.at[pl.ds(base + z * _ZCHUNK, _ZCHUNK)],
            semz).start()

    for cc in range(_CPW):
        chunk = wid * _CPW + cc
        pltpu.sync_copy(idx_hbm.at[chunk], idx_v.at[cc])
        pltpu.sync_copy(val_hbm.at[chunk], val_v.at[cc])

    for z in range(_NZC):
        pltpu.make_async_copy(
            zbuf, out_hbm.at[pl.ds(base + z * _ZCHUNK, _ZCHUNK)],
            semz).wait()

    for cc in range(_CPW):
        for q in range(2):
            pltpu.async_copy(val_v.at[cc, q],
                             out_hbm.at[idx_v.at[cc, q]], sems).wait()


def _make_materialize_kernel():
    return pl.kernel(
        _materialize_body,
        out_type=jax.ShapeDtypeStruct((_TOTAL,), jnp.float32),
        mesh=plsc.VectorSubcoreMesh(core_axis_name="c",
                                    subcore_axis_name="s",
                                    num_cores=_NUM_SC,
                                    num_subcores=_NUM_SUB),
        scratch_types=[
            pltpu.VMEM((_ZCHUNK,), jnp.float32),
            pltpu.VMEM((_CPW, 2, TB), jnp.int32),
            pltpu.VMEM((_CPW, 2, TB), jnp.float32),
            pltpu.SemaphoreType.DMA,
            pltpu.SemaphoreType.DMA,
        ],
    )


def kernel(x, gating_weights):
    b, n, d = x.shape
    idx, val = _routing_records(x, gating_weights)
    out = _make_materialize_kernel()(idx, val)
    return out.reshape(b, n, E, CAP)

# --- scband reference (transcript-rebuilt; emitter-appended) ---
"""Pipeline reference for scband-top2-threshold-gating-3126736191786 (READ-ONLY COPY).

The authoritative reference and input builder live on the scoring server;
editing this copy changes nothing except your own understanding.
"""

import jax, jax.numpy as jnp
import numpy as np

DIM = 1024
NUM_GATES = 8
EPS = 1e-09
THRESHOLD = 0.2
CAPACITY_FACTOR = 1.25  # training-mode idx=0 (torch nn.Module default training=True)
MIN_EXPERT = 4


def _excl_cumsum(t):
    # F.pad(t, (0,0,1,0)).cumsum(dim=-2)[..., :-1, :] -> exclusive cumsum along token dim
    z = jnp.zeros_like(t[..., :1, :])
    padded = jnp.concatenate([z, t], axis=-2)
    return jnp.cumsum(padded, axis=-2)[..., :-1, :]


def setup_inputs(seed: int = 0) -> dict:
    key = jax.random.key(seed)
    k1, k2 = jax.random.split(key)
    x = jax.random.normal(k1, (4, 2048, DIM), dtype=jnp.float32)
    gating_weights = jax.random.normal(k2, (DIM, NUM_GATES), dtype=jnp.float32)
    return {"x": x, "gating_weights": gating_weights}


def reference(x, gating_weights):
    b, n, d = x.shape[-3], x.shape[-2], x.shape[-1]
    E = NUM_GATES
    expert_capacity = max(min(n, int(n * CAPACITY_FACTOR / E)), MIN_EXPERT)

    raw_gates = jnp.einsum('...bnd,...de->...bne', x, gating_weights)
    raw_gates = jax.nn.softmax(raw_gates, axis=-1)

    v1, i1 = jax.lax.top_k(raw_gates, 1)
    gate_1 = v1[..., 0]
    index_1 = i1[..., 0]
    mask_1 = jax.nn.one_hot(index_1, E, dtype=jnp.float32)

    gates_without_top_1 = raw_gates * (1.0 - mask_1)
    v2, i2 = jax.lax.top_k(gates_without_top_1, 1)
    gate_2 = v2[..., 0]
    index_2 = i2[..., 0]
    mask_2 = jax.nn.one_hot(index_2, E, dtype=jnp.float32)

    # NB: sequential update exactly as in torch (gate_1 updated before gate_2's denominator)
    gate_1 = gate_1 / (gate_1 + gate_2 + EPS)
    gate_2 = gate_2 / (gate_1 + gate_2 + EPS)

    mask_2 = mask_2 * (gate_2 > THRESHOLD)[..., None].astype(jnp.float32)

    position_in_expert_1 = _excl_cumsum(mask_1) * mask_1
    mask_1 = mask_1 * (position_in_expert_1 < float(expert_capacity)).astype(jnp.float32)
    mask_1_flat = mask_1.sum(axis=-1)
    position_in_expert_1 = position_in_expert_1.sum(axis=-1)
    gate_1 = gate_1 * mask_1_flat

    mask_1_count = mask_1.sum(axis=-2, keepdims=True)
    position_in_expert_2 = (_excl_cumsum(mask_2) + mask_1_count) * mask_2
    mask_2 = mask_2 * (position_in_expert_2 < float(expert_capacity)).astype(jnp.float32)
    mask_2_flat = mask_2.sum(axis=-1)
    position_in_expert_2 = position_in_expert_2.sum(axis=-1)
    gate_2 = gate_2 * mask_2_flat

    # jax.nn.one_hot yields zeros for out-of-range indices, matching _safe_one_hot's slice behavior
    pos1_oh = jax.nn.one_hot(position_in_expert_1.astype(jnp.int32), expert_capacity, dtype=jnp.float32)
    pos2_oh = jax.nn.one_hot(position_in_expert_2.astype(jnp.int32), expert_capacity, dtype=jnp.float32)
    idx1_oh = jax.nn.one_hot(index_1, E, dtype=jnp.float32)
    idx2_oh = jax.nn.one_hot(index_2, E, dtype=jnp.float32)

    routing_tensor_1 = (gate_1 * mask_1_flat)[..., None, None] * idx1_oh[..., None] * pos1_oh[..., None, :]
    routing_tensor_2 = (gate_2 * mask_2_flat)[..., None, None] * idx2_oh[..., None] * pos2_oh[..., None, :]
    return routing_tensor_1 + routing_tensor_2

if __name__ == "__main__":
    import jax
    _d = setup_inputs()
    print(jax.jit(kernel)(*tuple(_d.values())))

</pallas_src>

<mosaic_0001>
#map = affine_map<(d0, d1) -> (0, 0, 0)>
#map1 = affine_map<(d0, d1) -> (0)>
module attributes {stable_mosaic.version = 14 : i64} {
  func.func @_materialize_body(%arg0: i32, %arg1: i32, %arg2: memref<64x2x128xi32, #tpu.memory_space<hbm>>, %arg3: memref<64x2x128xf32, #tpu.memory_space<hbm>>, %arg4: memref<20971520xf32, #tpu.memory_space<hbm>>, %arg5: memref<65536xf32, #tpu.memory_space<vmem>>, %arg6: memref<2x2x128xi32, #tpu.memory_space<vmem>>, %arg7: memref<2x2x128xf32, #tpu.memory_space<vmem>>, %arg8: memref<!tpu.dma_semaphore, #tpu.memory_space<semaphore_mem>>, %arg9: memref<!tpu.dma_semaphore, #tpu.memory_space<semaphore_mem>>) attributes {dimension_semantics = [#tpu.dimension_semantics<core_parallel>, #tpu.dimension_semantics<subcore_parallel>], iteration_bounds = array<i64: 2, 16>, scalar_prefetch = 0 : i64, scratch_operands = 5 : i64, tpu.core_type = #tpu.core_type<sc_vector_subcore>, window_params = [{transform_indices = #map}, {transform_indices = #map}, {transform_indices = #map1}]} {
    %mul3A = arith.constant 2 : i32
    %mul3A_0 = arith.muli %arg1, %mul3A : i32
    %add3A = arith.addi %mul3A_0, %arg0 : i32
    %mul3A_1 = arith.constant 655360 : i32
    %mul3A_2 = arith.muli %add3A, %mul3A_1 : i32
    %scan3A = arith.constant 0 : i32
    %scan3A_3 = arith.constant 0 : i32
    %scan3A_4 = arith.constant 4096 : i32
    %scan3A_5 = arith.addi %scan3A_3, %scan3A_4 : i32
    %scan3A_6 = arith.constant 1 : i32
    %scan3A_7 = scf.for %scan3A_194 = %scan3A_3 to %scan3A_5 step %scan3A_6 iter_args(%scan3A_195 = %scan3A) -> (i32)  : i32 {
      %broadcast_in_dim3A = arith.constant 0.000000e+00 : f32
      %broadcast_in_dim3A_196 = vector.broadcast %broadcast_in_dim3A : f32 to vector<16xf32>
      %mul3A_197 = arith.constant 16 : i32
      %mul3A_198 = arith.muli %scan3A_194, %mul3A_197 : i32
      %swap3A = arith.index_cast %mul3A_198 : i32 to index
      %swap3A_199 = tpu.vector_load %arg5[%swap3A] {strides = array<i32>} : memref<65536xf32, #tpu.memory_space<vmem>>, vector<16xf32>,
      %swap3A_200 = vector.shape_cast %swap3A_199 : vector<16xf32> to vector<16xf32>
      %swap3A_201 = vector.shape_cast %broadcast_in_dim3A_196 : vector<16xf32> to vector<16xf32>
      tpu.vector_store %arg5[%swap3A], %swap3A_201 {strides = array<i32>} : memref<65536xf32, #tpu.memory_space<vmem>>, vector<16xf32>,
      %scan3A_202 = arith.constant 0 : i32
      scf.yield %scan3A_202 : i32
    }
    %scan3A_8 = arith.constant 4096 : i32
    %add3A_9 = arith.constant 0 : i32
    %add3A_10 = arith.addi %mul3A_2, %add3A_9 : i32
    %dma_start3A = tpu.memref_slice %arg4[%add3A_10] : memref<20971520xf32, #tpu.memory_space<hbm>> -> memref<65536xf32, #tpu.memory_space<hbm>>
    %dma_start3A_11 = tpu.memref_slice %arg4[%add3A_10] : memref<20971520xf32, #tpu.memory_space<hbm>> -> memref<65536xf32, #tpu.memory_space<hbm>>
    tpu.enqueue_dma source(%arg5 : memref<65536xf32, #tpu.memory_space<vmem>>) target(%dma_start3A_11 : memref<65536xf32, #tpu.memory_space<hbm>>) target_semaphore(%arg8 : memref<!tpu.dma_semaphore, #tpu.memory_space<semaphore_mem>>)
    %add3A_12 = arith.constant 65536 : i32
    %add3A_13 = arith.addi %mul3A_2, %add3A_12 : i32
    %dma_start3A_14 = tpu.memref_slice %arg4[%add3A_13] : memref<20971520xf32, #tpu.memory_space<hbm>> -> memref<65536xf32, #tpu.memory_space<hbm>>
    %dma_start3A_15 = tpu.memref_slice %arg4[%add3A_13] : memref<20971520xf32, #tpu.memory_space<hbm>> -> memref<65536xf32, #tpu.memory_space<hbm>>
    tpu.enqueue_dma source(%arg5 : memref<65536xf32, #tpu.memory_space<vmem>>) target(%dma_start3A_15 : memref<65536xf32, #tpu.memory_space<hbm>>) target_semaphore(%arg8 : memref<!tpu.dma_semaphore, #tpu.memory_space<semaphore_mem>>)
    %add3A_16 = arith.constant 131072 : i32
    %add3A_17 = arith.addi %mul3A_2, %add3A_16 : i32
    %dma_start3A_18 = tpu.memref_slice %arg4[%add3A_17] : memref<20971520xf32, #tpu.memory_space<hbm>> -> memref<65536xf32, #tpu.memory_space<hbm>>
    %dma_start3A_19 = tpu.memref_slice %arg4[%add3A_17] : memref<20971520xf32, #tpu.memory_space<hbm>> -> memref<65536xf32, #tpu.memory_space<hbm>>
    tpu.enqueue_dma source(%arg5 : memref<65536xf32, #tpu.memory_space<vmem>>) target(%dma_start3A_19 : memref<65536xf32, #tpu.memory_space<hbm>>) target_semaphore(%arg8 : memref<!tpu.dma_semaphore, #tpu.memory_space<semaphore_mem>>)
    %add3A_20 = arith.constant 196608 : i32
    %add3A_21 = arith.addi %mul3A_2, %add3A_20 : i32
    %dma_start3A_22 = tpu.memref_slice %arg4[%add3A_21] : memref<20971520xf32, #tpu.memory_space<hbm>> -> memref<65536xf32, #tpu.memory_space<hbm>>
    %dma_start3A_23 = tpu.memref_slice %arg4[%add3A_21] : memref<20971520xf32, #tpu.memory_space<hbm>> -> memref<65536xf32, #tpu.memory_space<hbm>>
    tpu.enqueue_dma source(%arg5 : memref<65536xf32, #tpu.memory_space<vmem>>) target(%dma_start3A_23 : memref<65536xf32, #tpu.memory_space<hbm>>) target_semaphore(%arg8 : memref<!tpu.dma_semaphore, #tpu.memory_space<semaphore_mem>>)
    %add3A_24 = arith.constant 262144 : i32
    %add3A_25 = arith.addi %mul3A_2, %add3A_24 : i32
    %dma_start3A_26 = tpu.memref_slice %arg4[%add3A_25] : memref<20971520xf32, #tpu.memory_space<hbm>> -> memref<65536xf32, #tpu.memory_space<hbm>>
    %dma_start3A_27 = tpu.memref_slice %arg4[%add3A_25] : memref<20971520xf32, #tpu.memory_space<hbm>> -> memref<65536xf32, #tpu.memory_space<hbm>>
    tpu.enqueue_dma source(%arg5 : memref<65536xf32, #tpu.memory_space<vmem>>) target(%dma_start3A_27 : memref<65536xf32, #tpu.memory_space<hbm>>) target_semaphore(%arg8 : memref<!tpu.dma_semaphore, #tpu.memory_space<semaphore_mem>>)
    %add3A_28 = arith.constant 327680 : i32
    %add3A_29 = arith.addi %mul3A_2, %add3A_28 : i32
    %dma_start3A_30 = tpu.memref_slice %arg4[%add3A_29] : memref<20971520xf32, #tpu.memory_space<hbm>> -> memref<65536xf32, #tpu.memory_space<hbm>>
    %dma_start3A_31 = tpu.memref_slice %arg4[%add3A_29] : memref<20971520xf32, #tpu.memory_space<hbm>> -> memref<65536xf32, #tpu.memory_space<hbm>>
    tpu.enqueue_dma source(%arg5 : memref<65536xf32, #tpu.memory_space<vmem>>) target(%dma_start3A_31 : memref<65536xf32, #tpu.memory_space<hbm>>) target_semaphore(%arg8 : memref<!tpu.dma_semaphore, #tpu.memory_space<semaphore_mem>>)
    %add3A_32 = arith.constant 393216 : i32
    %add3A_33 = arith.addi %mul3A_2, %add3A_32 : i32
    %dma_start3A_34 = tpu.memref_slice %arg4[%add3A_33] : memref<20971520xf32, #tpu.memory_space<hbm>> -> memref<65536xf32, #tpu.memory_space<hbm>>
    %dma_start3A_35 = tpu.memref_slice %arg4[%add3A_33] : memref<20971520xf32, #tpu.memory_space<hbm>> -> memref<65536xf32, #tpu.memory_space<hbm>>
    tpu.enqueue_dma source(%arg5 : memref<65536xf32, #tpu.memory_space<vmem>>) target(%dma_start3A_35 : memref<65536xf32, #tpu.memory_space<hbm>>) target_semaphore(%arg8 : memref<!tpu.dma_semaphore, #tpu.memory_space<semaphore_mem>>)
    %add3A_36 = arith.constant 458752 : i32
    %add3A_37 = arith.addi %mul3A_2, %add3A_36 : i32
    %dma_start3A_38 = tpu.memref_slice %arg4[%add3A_37] : memref<20971520xf32, #tpu.memory_space<hbm>> -> memref<65536xf32, #tpu.memory_space<hbm>>
    %dma_start3A_39 = tpu.memref_slice %arg4[%add3A_37] : memref<20971520xf32, #tpu.memory_space<hbm>> -> memref<65536xf32, #tpu.memory_space<hbm>>
    tpu.enqueue_dma source(%arg5 : memref<65536xf32, #tpu.memory_space<vmem>>) target(%dma_start3A_39 : memref<65536xf32, #tpu.memory_space<hbm>>) target_semaphore(%arg8 : memref<!tpu.dma_semaphore, #tpu.memory_space<semaphore_mem>>)
    %add3A_40 = arith.constant 524288 : i32
    %add3A_41 = arith.addi %mul3A_2, %add3A_40 : i32
    %dma_start3A_42 = tpu.memref_slice %arg4[%add3A_41] : memref<20971520xf32, #tpu.memory_space<hbm>> -> memref<65536xf32, #tpu.memory_space<hbm>>
    %dma_start3A_43 = tpu.memref_slice %arg4[%add3A_41] : memref<20971520xf32, #tpu.memory_space<hbm>> -> memref<65536xf32, #tpu.memory_space<hbm>>
    tpu.enqueue_dma source(%arg5 : memref<65536xf32, #tpu.memory_space<vmem>>) target(%dma_start3A_43 : memref<65536xf32, #tpu.memory_space<hbm>>) target_semaphore(%arg8 : memref<!tpu.dma_semaphore, #tpu.memory_space<semaphore_mem>>)
    %add3A_44 = arith.constant 589824 : i32
    %add3A_45 = arith.addi %mul3A_2, %add3A_44 : i32
    %dma_start3A_46 = tpu.memref_slice %arg4[%add3A_45] : memref<20971520xf32, #tpu.memory_space<hbm>> -> memref<65536xf32, #tpu.memory_space<hbm>>
    %dma_start3A_47 = tpu.memref_slice %arg4[%add3A_45] : memref<20971520xf32, #tpu.memory_space<hbm>> -> memref<65536xf32, #tpu.memory_space<hbm>>
    tpu.enqueue_dma source(%arg5 : memref<65536xf32, #tpu.memory_space<vmem>>) target(%dma_start3A_47 : memref<65536xf32, #tpu.memory_space<hbm>>) target_semaphore(%arg8 : memref<!tpu.dma_semaphore, #tpu.memory_space<semaphore_mem>>)
    %mul3A_48 = arith.constant 2 : i32
    %mul3A_49 = arith.muli %add3A, %mul3A_48 : i32
    %add3A_50 = arith.constant 0 : i32
    %add3A_51 = arith.addi %mul3A_49, %add3A_50 : i32
    %run_scoped3A = arith.constant 0 : i32
    "tpu.region"() ({
      %run_scoped3A_194 = tpu.sem_alloc : memref<!tpu.dma_semaphore, #tpu.memory_space<semaphore_mem>>
      %dma_start3A_195 = arith.constant 0 : i32
      %dma_start3A_196 = arith.constant 0 : i32
      %dma_start3A_197 = tpu.memref_slice %arg6[%run_scoped3A, %dma_start3A_195, %dma_start3A_196] : memref<2x2x128xi32, #tpu.memory_space<vmem>> -> memref<1x2x128xi32, #tpu.memory_space<vmem>>
      %dma_start3A_198 = tpu.memref_squeeze %dma_start3A_197 : memref<1x2x128xi32, #tpu.memory_space<vmem>> -> memref<2x128xi32, #tpu.memory_space<vmem>>
      %dma_start3A_199 = arith.constant 0 : i32
      %dma_start3A_200 = arith.constant 0 : i32
      %dma_start3A_201 = tpu.memref_slice %arg2[%add3A_51, %dma_start3A_199, %dma_start3A_200] : memref<64x2x128xi32, #tpu.memory_space<hbm>> -> memref<1x2x128xi32, #tpu.memory_space<hbm>>
      %dma_start3A_202 = tpu.memref_squeeze %dma_start3A_201 : memref<1x2x128xi32, #tpu.memory_space<hbm>> -> memref<2x128xi32, #tpu.memory_space<hbm>>
      %dma_start3A_203 = arith.constant 0 : i32
      %dma_start3A_204 = arith.constant 0 : i32
      %dma_start3A_205 = tpu.memref_slice %arg6[%run_scoped3A, %dma_start3A_203, %dma_start3A_204] : memref<2x2x128xi32, #tpu.memory_space<vmem>> -> memref<1x2x128xi32, #tpu.memory_space<vmem>>
      %dma_start3A_206 = tpu.memref_squeeze %dma_start3A_205 : memref<1x2x128xi32, #tpu.memory_space<vmem>> -> memref<2x128xi32, #tpu.memory_space<vmem>>
      %dma_start3A_207 = arith.constant 0 : i32
      %dma_start3A_208 = arith.constant 0 : i32
      %dma_start3A_209 = tpu.memref_slice %arg2[%add3A_51, %dma_start3A_207, %dma_start3A_208] : memref<64x2x128xi32, #tpu.memory_space<hbm>> -> memref<1x2x128xi32, #tpu.memory_space<hbm>>
      %dma_start3A_210 = tpu.memref_squeeze %dma_start3A_209 : memref<1x2x128xi32, #tpu.memory_space<hbm>> -> memref<2x128xi32, #tpu.memory_space<hbm>>
      tpu.enqueue_dma source(%dma_start3A_210 : memref<2x128xi32, #tpu.memory_space<hbm>>) target(%dma_start3A_206 : memref<2x128xi32, #tpu.memory_space<vmem>>) target_semaphore(%run_scoped3A_194 : memref<!tpu.dma_semaphore, #tpu.memory_space<semaphore_mem>>)
      %dma_wait3A_211 = arith.constant 0 : i32
      %dma_wait3A_212 = arith.constant 0 : i32
      %dma_wait3A_213 = tpu.memref_slice %arg6[%run_scoped3A, %dma_wait3A_211, %dma_wait3A_212] : memref<2x2x128xi32, #tpu.memory_space<vmem>> -> memref<1x2x128xi32, #tpu.memory_space<vmem>>
      %dma_wait3A_214 = tpu.memref_squeeze %dma_wait3A_213 : memref<1x2x128xi32, #tpu.memory_space<vmem>> -> memref<2x128xi32, #tpu.memory_space<vmem>>
      %dma_wait3A_215 = arith.constant 0 : i32
      %dma_wait3A_216 = arith.constant 0 : i32
      %dma_wait3A_217 = tpu.memref_slice %arg2[%add3A_51, %dma_wait3A_215, %dma_wait3A_216] : memref<64x2x128xi32, #tpu.memory_space<hbm>> -> memref<1x2x128xi32, #tpu.memory_space<hbm>>
      %dma_wait3A_218 = tpu.memref_squeeze %dma_wait3A_217 : memref<1x2x128xi32, #tpu.memory_space<hbm>> -> memref<2x128xi32, #tpu.memory_space<hbm>>
      %dma_wait3A_219 = arith.constant 0 : i32
      %dma_wait3A_220 = arith.constant 0 : i32
      %dma_wait3A_221 = tpu.memref_slice %arg6[%run_scoped3A, %dma_wait3A_219, %dma_wait3A_220] : memref<2x2x128xi32, #tpu.memory_space<vmem>> -> memref<1x2x128xi32, #tpu.memory_space<vmem>>
      %dma_wait3A_222 = tpu.memref_squeeze %dma_wait3A_221 : memref<1x2x128xi32, #tpu.memory_space<vmem>> -> memref<2x128xi32, #tpu.memory_space<vmem>>
      %dma_wait3A_223 = arith.constant 0 : i32
      %dma_wait3A_224 = arith.constant 0 : i32
      %dma_wait3A_225 = tpu.memref_slice %arg2[%add3A_51, %dma_wait3A_223, %dma_wait3A_224] : memref<64x2x128xi32, #tpu.memory_space<hbm>> -> memref<1x2x128xi32, #tpu.memory_space<hbm>>
      %dma_wait3A_226 = tpu.memref_squeeze %dma_wait3A_225 : memref<1x2x128xi32, #tpu.memory_space<hbm>> -> memref<2x128xi32, #tpu.memory_space<hbm>>
      tpu.wait_dma2 semaphore(%run_scoped3A_194 : memref<!tpu.dma_semaphore, #tpu.memory_space<semaphore_mem>>) src(%dma_wait3A_226 : memref<2x128xi32, #tpu.memory_space<hbm>>) dst(%dma_wait3A_222 : memref<2x128xi32, #tpu.memory_space<vmem>>)
      tpu.yield
    }) : () -> ()
    %run_scoped3A_52 = arith.constant 0 : i32
    "tpu.region"() ({
      %run_scoped3A_194 = tpu.sem_alloc : memref<!tpu.dma_semaphore, #tpu.memory_space<semaphore_mem>>
      %dma_start3A_195 = arith.constant 0 : i32
      %dma_start3A_196 = arith.constant 0 : i32
      %dma_start3A_197 = tpu.memref_slice %arg7[%run_scoped3A_52, %dma_start3A_195, %dma_start3A_196] : memref<2x2x128xf32, #tpu.memory_space<vmem>> -> memref<1x2x128xf32, #tpu.memory_space<vmem>>
      %dma_start3A_198 = tpu.memref_squeeze %dma_start3A_197 : memref<1x2x128xf32, #tpu.memory_space<vmem>> -> memref<2x128xf32, #tpu.memory_space<vmem>>
      %dma_start3A_199 = arith.constant 0 : i32
      %dma_start3A_200 = arith.constant 0 : i32
      %dma_start3A_201 = tpu.memref_slice %arg3[%add3A_51, %dma_start3A_199, %dma_start3A_200] : memref<64x2x128xf32, #tpu.memory_space<hbm>> -> memref<1x2x128xf32, #tpu.memory_space<hbm>>
      %dma_start3A_202 = tpu.memref_squeeze %dma_start3A_201 : memref<1x2x128xf32, #tpu.memory_space<hbm>> -> memref<2x128xf32, #tpu.memory_space<hbm>>
      %dma_start3A_203 = arith.constant 0 : i32
      %dma_start3A_204 = arith.constant 0 : i32
      %dma_start3A_205 = tpu.memref_slice %arg7[%run_scoped3A_52, %dma_start3A_203, %dma_start3A_204] : memref<2x2x128xf32, #tpu.memory_space<vmem>> -> memref<1x2x128xf32, #tpu.memory_space<vmem>>
      %dma_start3A_206 = tpu.memref_squeeze %dma_start3A_205 : memref<1x2x128xf32, #tpu.memory_space<vmem>> -> memref<2x128xf32, #tpu.memory_space<vmem>>
      %dma_start3A_207 = arith.constant 0 : i32
      %dma_start3A_208 = arith.constant 0 : i32
      %dma_start3A_209 = tpu.memref_slice %arg3[%add3A_51, %dma_start3A_207, %dma_start3A_208] : memref<64x2x128xf32, #tpu.memory_space<hbm>> -> memref<1x2x128xf32, #tpu.memory_space<hbm>>
      %dma_start3A_210 = tpu.memref_squeeze %dma_start3A_209 : memref<1x2x128xf32, #tpu.memory_space<hbm>> -> memref<2x128xf32, #tpu.memory_space<hbm>>
      tpu.enqueue_dma source(%dma_start3A_210 : memref<2x128xf32, #tpu.memory_space<hbm>>) target(%dma_start3A_206 : memref<2x128xf32, #tpu.memory_space<vmem>>) target_semaphore(%run_scoped3A_194 : memref<!tpu.dma_semaphore, #tpu.memory_space<semaphore_mem>>)
      %dma_wait3A_211 = arith.constant 0 : i32
      %dma_wait3A_212 = arith.constant 0 : i32
      %dma_wait3A_213 = tpu.memref_slice %arg7[%run_scoped3A_52, %dma_wait3A_211, %dma_wait3A_212] : memref<2x2x128xf32, #tpu.memory_space<vmem>> -> memref<1x2x128xf32, #tpu.memory_space<vmem>>
      %dma_wait3A_214 = tpu.memref_squeeze %dma_wait3A_213 : memref<1x2x128xf32, #tpu.memory_space<vmem>> -> memref<2x128xf32, #tpu.memory_space<vmem>>
      %dma_wait3A_215 = arith.constant 0 : i32
      %dma_wait3A_216 = arith.constant 0 : i32
      %dma_wait3A_217 = tpu.memref_slice %arg3[%add3A_51, %dma_wait3A_215, %dma_wait3A_216] : memref<64x2x128xf32, #tpu.memory_space<hbm>> -> memref<1x2x128xf32, #tpu.memory_space<hbm>>
      %dma_wait3A_218 = tpu.memref_squeeze %dma_wait3A_217 : memref<1x2x128xf32, #tpu.memory_space<hbm>> -> memref<2x128xf32, #tpu.memory_space<hbm>>
      %dma_wait3A_219 = arith.constant 0 : i32
      %dma_wait3A_220 = arith.constant 0 : i32
      %dma_wait3A_221 = tpu.memref_slice %arg7[%run_scoped3A_52, %dma_wait3A_219, %dma_wait3A_220] : memref<2x2x128xf32, #tpu.memory_space<vmem>> -> memref<1x2x128xf32, #tpu.memory_space<vmem>>
      %dma_wait3A_222 = tpu.memref_squeeze %dma_wait3A_221 : memref<1x2x128xf32, #tpu.memory_space<vmem>> -> memref<2x128xf32, #tpu.memory_space<vmem>>
      %dma_wait3A_223 = arith.constant 0 : i32
      %dma_wait3A_224 = arith.constant 0 : i32
      %dma_wait3A_225 = tpu.memref_slice %arg3[%add3A_51, %dma_wait3A_223, %dma_wait3A_224] : memref<64x2x128xf32, #tpu.memory_space<hbm>> -> memref<1x2x128xf32, #tpu.memory_space<hbm>>
      %dma_wait3A_226 = tpu.memref_squeeze %dma_wait3A_225 : memref<1x2x128xf32, #tpu.memory_space<hbm>> -> memref<2x128xf32, #tpu.memory_space<hbm>>
      tpu.wait_dma2 semaphore(%run_scoped3A_194 : memref<!tpu.dma_semaphore, #tpu.memory_space<semaphore_mem>>) src(%dma_wait3A_226 : memref<2x128xf32, #tpu.memory_space<hbm>>) dst(%dma_wait3A_222 : memref<2x128xf32, #tpu.memory_space<vmem>>)
      tpu.yield
    }) : () -> ()
    %mul3A_53 = arith.constant 2 : i32
    %mul3A_54 = arith.muli %add3A, %mul3A_53 : i32
    %add3A_55 = arith.constant 1 : i32
    %add3A_56 = arith.addi %mul3A_54, %add3A_55 : i32
    %run_scoped3A_57 = arith.constant 1 : i32
    "tpu.region"() ({
      %run_scoped3A_194 = tpu.sem_alloc : memref<!tpu.dma_semaphore, #tpu.memory_space<semaphore_mem>>
      %dma_start3A_195 = arith.constant 0 : i32
      %dma_start3A_196 = arith.constant 0 : i32
      %dma_start3A_197 = tpu.memref_slice %arg6[%run_scoped3A_57, %dma_start3A_195, %dma_start3A_196] : memref<2x2x128xi32, #tpu.memory_space<vmem>> -> memref<1x2x128xi32, #tpu.memory_space<vmem>>
      %dma_start3A_198 = tpu.memref_squeeze %dma_start3A_197 : memref<1x2x128xi32, #tpu.memory_space<vmem>> -> memref<2x128xi32, #tpu.memory_space<vmem>>
      %dma_start3A_199 = arith.constant 0 : i32
      %dma_start3A_200 = arith.constant 0 : i32
      %dma_start3A_201 = tpu.memref_slice %arg2[%add3A_56, %dma_start3A_199, %dma_start3A_200] : memref<64x2x128xi32, #tpu.memory_space<hbm>> -> memref<1x2x128xi32, #tpu.memory_space<hbm>>
      %dma_start3A_202 = tpu.memref_squeeze %dma_start3A_201 : memref<1x2x128xi32, #tpu.memory_space<hbm>> -> memref<2x128xi32, #tpu.memory_space<hbm>>
      %dma_start3A_203 = arith.constant 0 : i32
      %dma_start3A_204 = arith.constant 0 : i32
      %dma_start3A_205 = tpu.memref_slice %arg6[%run_scoped3A_57, %dma_start3A_203, %dma_start3A_204] : memref<2x2x128xi32, #tpu.memory_space<vmem>> -> memref<1x2x128xi32, #tpu.memory_space<vmem>>
      %dma_start3A_206 = tpu.memref_squeeze %dma_start3A_205 : memref<1x2x128xi32, #tpu.memory_space<vmem>> -> memref<2x128xi32, #tpu.memory_space<vmem>>
      %dma_start3A_207 = arith.constant 0 : i32
      %dma_start3A_208 = arith.constant 0 : i32
      %dma_start3A_209 = tpu.memref_slice %arg2[%add3A_56, %dma_start3A_207, %dma_start3A_208] : memref<64x2x128xi32, #tpu.memory_space<hbm>> -> memref<1x2x128xi32, #tpu.memory_space<hbm>>
      %dma_start3A_210 = tpu.memref_squeeze %dma_start3A_209 : memref<1x2x128xi32, #tpu.memory_space<hbm>> -> memref<2x128xi32, #tpu.memory_space<hbm>>
      tpu.enqueue_dma source(%dma_start3A_210 : memref<2x128xi32, #tpu.memory_space<hbm>>) target(%dma_start3A_206 : memref<2x128xi32, #tpu.memory_space<vmem>>) target_semaphore(%run_scoped3A_194 : memref<!tpu.dma_semaphore, #tpu.memory_space<semaphore_mem>>)
      %dma_wait3A_211 = arith.constant 0 : i32
      %dma_wait3A_212 = arith.constant 0 : i32
      %dma_wait3A_213 = tpu.memref_slice %arg6[%run_scoped3A_57, %dma_wait3A_211, %dma_wait3A_212] : memref<2x2x128xi32, #tpu.memory_space<vmem>> -> memref<1x2x128xi32, #tpu.memory_space<vmem>>
      %dma_wait3A_214 = tpu.memref_squeeze %dma_wait3A_213 : memref<1x2x128xi32, #tpu.memory_space<vmem>> -> memref<2x128xi32, #tpu.memory_space<vmem>>
      %dma_wait3A_215 = arith.constant 0 : i32
      %dma_wait3A_216 = arith.constant 0 : i32
      %dma_wait3A_217 = tpu.memref_slice %arg2[%add3A_56, %dma_wait3A_215, %dma_wait3A_216] : memref<64x2x128xi32, #tpu.memory_space<hbm>> -> memref<1x2x128xi32, #tpu.memory_space<hbm>>
      %dma_wait3A_218 = tpu.memref_squeeze %dma_wait3A_217 : memref<1x2x128xi32, #tpu.memory_space<hbm>> -> memref<2x128xi32, #tpu.memory_space<hbm>>
      %dma_wait3A_219 = arith.constant 0 : i32
      %dma_wait3A_220 = arith.constant 0 : i32
      %dma_wait3A_221 = tpu.memref_slice %arg6[%run_scoped3A_57, %dma_wait3A_219, %dma_wait3A_220] : memref<2x2x128xi32, #tpu.memory_space<vmem>> -> memref<1x2x128xi32, #tpu.memory_space<vmem>>
      %dma_wait3A_222 = tpu.memref_squeeze %dma_wait3A_221 : memref<1x2x128xi32, #tpu.memory_space<vmem>> -> memref<2x128xi32, #tpu.memory_space<vmem>>
      %dma_wait3A_223 = arith.constant 0 : i32
      %dma_wait3A_224 = arith.constant 0 : i32
      %dma_wait3A_225 = tpu.memref_slice %arg2[%add3A_56, %dma_wait3A_223, %dma_wait3A_224] : memref<64x2x128xi32, #tpu.memory_space<hbm>> -> memref<1x2x128xi32, #tpu.memory_space<hbm>>
      %dma_wait3A_226 = tpu.memref_squeeze %dma_wait3A_225 : memref<1x2x128xi32, #tpu.memory_space<hbm>> -> memref<2x128xi32, #tpu.memory_space<hbm>>
      tpu.wait_dma2 semaphore(%run_scoped3A_194 : memref<!tpu.dma_semaphore, #tpu.memory_space<semaphore_mem>>) src(%dma_wait3A_226 : memref<2x128xi32, #tpu.memory_space<hbm>>) dst(%dma_wait3A_222 : memref<2x128xi32, #tpu.memory_space<vmem>>)
      tpu.yield
    }) : () -> ()
    %run_scoped3A_58 = arith.constant 1 : i32
    "tpu.region"() ({
      %run_scoped3A_194 = tpu.sem_alloc : memref<!tpu.dma_semaphore, #tpu.memory_space<semaphore_mem>>
      %dma_start3A_195 = arith.constant 0 : i32
      %dma_start3A_196 = arith.constant 0 : i32
      %dma_start3A_197 = tpu.memref_slice %arg7[%run_scoped3A_58, %dma_start3A_195, %dma_start3A_196] : memref<2x2x128xf32, #tpu.memory_space<vmem>> -> memref<1x2x128xf32, #tpu.memory_space<vmem>>
      %dma_start3A_198 = tpu.memref_squeeze %dma_start3A_197 : memref<1x2x128xf32, #tpu.memory_space<vmem>> -> memref<2x128xf32, #tpu.memory_space<vmem>>
      %dma_start3A_199 = arith.constant 0 : i32
      %dma_start3A_200 = arith.constant 0 : i32
      %dma_start3A_201 = tpu.memref_slice %arg3[%add3A_56, %dma_start3A_199, %dma_start3A_200] : memref<64x2x128xf32, #tpu.memory_space<hbm>> -> memref<1x2x128xf32, #tpu.memory_space<hbm>>
      %dma_start3A_202 = tpu.memref_squeeze %dma_start3A_201 : memref<1x2x128xf32, #tpu.memory_space<hbm>> -> memref<2x128xf32, #tpu.memory_space<hbm>>
      %dma_start3A_203 = arith.constant 0 : i32
      %dma_start3A_204 = arith.constant 0 : i32
      %dma_start3A_205 = tpu.memref_slice %arg7[%run_scoped3A_58, %dma_start3A_203, %dma_start3A_204] : memref<2x2x128xf32, #tpu.memory_space<vmem>> -> memref<1x2x128xf32, #tpu.memory_space<vmem>>
      %dma_start3A_206 = tpu.memref_squeeze %dma_start3A_205 : memref<1x2x128xf32, #tpu.memory_space<vmem>> -> memref<2x128xf32, #tpu.memory_space<vmem>>
      %dma_start3A_207 = arith.constant 0 : i32
      %dma_start3A_208 = arith.constant 0 : i32
      %dma_start3A_209 = tpu.memref_slice %arg3[%add3A_56, %dma_start3A_207, %dma_start3A_208] : memref<64x2x128xf32, #tpu.memory_space<hbm>> -> memref<1x2x128xf32, #tpu.memory_space<hbm>>
      %dma_start3A_210 = tpu.memref_squeeze %dma_start3A_209 : memref<1x2x128xf32, #tpu.memory_space<hbm>> -> memref<2x128xf32, #tpu.memory_space<hbm>>
      tpu.enqueue_dma source(%dma_start3A_210 : memref<2x128xf32, #tpu.memory_space<hbm>>) target(%dma_start3A_206 : memref<2x128xf32, #tpu.memory_space<vmem>>) target_semaphore(%run_scoped3A_194 : memref<!tpu.dma_semaphore, #tpu.memory_space<semaphore_mem>>)
      %dma_wait3A_211 = arith.constant 0 : i32
      %dma_wait3A_212 = arith.constant 0 : i32
      %dma_wait3A_213 = tpu.memref_slice %arg7[%run_scoped3A_58, %dma_wait3A_211, %dma_wait3A_212] : memref<2x2x128xf32, #tpu.memory_space<vmem>> -> memref<1x2x128xf32, #tpu.memory_space<vmem>>
      %dma_wait3A_214 = tpu.memref_squeeze %dma_wait3A_213 : memref<1x2x128xf32, #tpu.memory_space<vmem>> -> memref<2x128xf32, #tpu.memory_space<vmem>>
      %dma_wait3A_215 = arith.constant 0 : i32
      %dma_wait3A_216 = arith.constant 0 : i32
      %dma_wait3A_217 = tpu.memref_slice %arg3[%add3A_56, %dma_wait3A_215, %dma_wait3A_216] : memref<64x2x128xf32, #tpu.memory_space<hbm>> -> memref<1x2x128xf32, #tpu.memory_space<hbm>>
      %dma_wait3A_218 = tpu.memref_squeeze %dma_wait3A_217 : memref<1x2x128xf32, #tpu.memory_space<hbm>> -> memref<2x128xf32, #tpu.memory_space<hbm>>
      %dma_wait3A_219 = arith.constant 0 : i32
      %dma_wait3A_220 = arith.constant 0 : i32
      %dma_wait3A_221 = tpu.memref_slice %arg7[%run_scoped3A_58, %dma_wait3A_219, %dma_wait3A_220] : memref<2x2x128xf32, #tpu.memory_space<vmem>> -> memref<1x2x128xf32, #tpu.memory_space<vmem>>
      %dma_wait3A_222 = tpu.memref_squeeze %dma_wait3A_221 : memref<1x2x128xf32, #tpu.memory_space<vmem>> -> memref<2x128xf32, #tpu.memory_space<vmem>>
      %dma_wait3A_223 = arith.constant 0 : i32
      %dma_wait3A_224 = arith.constant 0 : i32
      %dma_wait3A_225 = tpu.memref_slice %arg3[%add3A_56, %dma_wait3A_223, %dma_wait3A_224] : memref<64x2x128xf32, #tpu.memory_space<hbm>> -> memref<1x2x128xf32, #tpu.memory_space<hbm>>
      %dma_wait3A_226 = tpu.memref_squeeze %dma_wait3A_225 : memref<1x2x128xf32, #tpu.memory_space<hbm>> -> memref<2x128xf32, #tpu.memory_space<hbm>>
      tpu.wait_dma2 semaphore(%run_scoped3A_194 : memref<!tpu.dma_semaphore, #tpu.memory_space<semaphore_mem>>) src(%dma_wait3A_226 : memref<2x128xf32, #tpu.memory_space<hbm>>) dst(%dma_wait3A_222 : memref<2x128xf32, #tpu.memory_space<vmem>>)
      tpu.yield
    }) : () -> ()
    %add3A_59 = arith.constant 0 : i32
    %add3A_60 = arith.addi %mul3A_2, %add3A_59 : i32
    %dma_wait3A = tpu.memref_slice %arg4[%add3A_60] : memref<20971520xf32, #tpu.memory_space<hbm>> -> memref<65536xf32, #tpu.memory_space<hbm>>
    %dma_wait3A_61 = tpu.memref_slice %arg4[%add3A_60] : memref<20971520xf32, #tpu.memory_space<hbm>> -> memref<65536xf32, #tpu.memory_space<hbm>>
    tpu.wait_dma2 semaphore(%arg8 : memref<!tpu.dma_semaphore, #tpu.memory_space<semaphore_mem>>) src(%arg5 : memref<65536xf32, #tpu.memory_space<vmem>>) dst(%dma_wait3A_61 : memref<65536xf32, #tpu.memory_space<hbm>>)
    %add3A_62 = arith.constant 65536 : i32
    %add3A_63 = arith.addi %mul3A_2, %add3A_62 : i32
    %dma_wait3A_64 = tpu.memref_slice %arg4[%add3A_63] : memref<20971520xf32, #tpu.memory_space<hbm>> -> memref<65536xf32, #tpu.memory_space<hbm>>
    %dma_wait3A_65 = tpu.memref_slice %arg4[%add3A_63] : memref<20971520xf32, #tpu.memory_space<hbm>> -> memref<65536xf32, #tpu.memory_space<hbm>>
    tpu.wait_dma2 semaphore(%arg8 : memref<!tpu.dma_semaphore, #tpu.memory_space<semaphore_mem>>) src(%arg5 : memref<65536xf32, #tpu.memory_space<vmem>>) dst(%dma_wait3A_65 : memref<65536xf32, #tpu.memory_space<hbm>>)
    %add3A_66 = arith.constant 131072 : i32
    %add3A_67 = arith.addi %mul3A_2, %add3A_66 : i32
    %dma_wait3A_68 = tpu.memref_slice %arg4[%add3A_67] : memref<20971520xf32, #tpu.memory_space<hbm>> -> memref<65536xf32, #tpu.memory_space<hbm>>
    %dma_wait3A_69 = tpu.memref_slice %arg4[%add3A_67] : memref<20971520xf32, #tpu.memory_space<hbm>> -> memref<65536xf32, #tpu.memory_space<hbm>>
    tpu.wait_dma2 semaphore(%arg8 : memref<!tpu.dma_semaphore, #tpu.memory_space<semaphore_mem>>) src(%arg5 : memref<65536xf32, #tpu.memory_space<vmem>>) dst(%dma_wait3A_69 : memref<65536xf32, #tpu.memory_space<hbm>>)
    %add3A_70 = arith.constant 196608 : i32
    %add3A_71 = arith.addi %mul3A_2, %add3A_70 : i32
    %dma_wait3A_72 = tpu.memref_slice %arg4[%add3A_71] : memref<20971520xf32, #tpu.memory_space<hbm>> -> memref<65536xf32, #tpu.memory_space<hbm>>
    %dma_wait3A_73 = tpu.memref_slice %arg4[%add3A_71] : memref<20971520xf32, #tpu.memory_space<hbm>> -> memref<65536xf32, #tpu.memory_space<hbm>>
    tpu.wait_dma2 semaphore(%arg8 : memref<!tpu.dma_semaphore, #tpu.memory_space<semaphore_mem>>) src(%arg5 : memref<65536xf32, #tpu.memory_space<vmem>>) dst(%dma_wait3A_73 : memref<65536xf32, #tpu.memory_space<hbm>>)
    %add3A_74 = arith.constant 262144 : i32
    %add3A_75 = arith.addi %mul3A_2, %add3A_74 : i32
    %dma_wait3A_76 = tpu.memref_slice %arg4[%add3A_75] : memref<20971520xf32, #tpu.memory_space<hbm>> -> memref<65536xf32, #tpu.memory_space<hbm>>
    %dma_wait3A_77 = tpu.memref_slice %arg4[%add3A_75] : memref<20971520xf32, #tpu.memory_space<hbm>> -> memref<65536xf32, #tpu.memory_space<hbm>>
    tpu.wait_dma2 semaphore(%arg8 : memref<!tpu.dma_semaphore, #tpu.memory_space<semaphore_mem>>) src(%arg5 : memref<65536xf32, #tpu.memory_space<vmem>>) dst(%dma_wait3A_77 : memref<65536xf32, #tpu.memory_space<hbm>>)
    %add3A_78 = arith.constant 327680 : i32
    %add3A_79 = arith.addi %mul3A_2, %add3A_78 : i32
    %dma_wait3A_80 = tpu.memref_slice %arg4[%add3A_79] : memref<20971520xf32, #tpu.memory_space<hbm>> -> memref<65536xf32, #tpu.memory_space<hbm>>
    %dma_wait3A_81 = tpu.memref_slice %arg4[%add3A_79] : memref<20971520xf32, #tpu.memory_space<hbm>> -> memref<65536xf32, #tpu.memory_space<hbm>>
    tpu.wait_dma2 semaphore(%arg8 : memref<!tpu.dma_semaphore, #tpu.memory_space<semaphore_mem>>) src(%arg5 : memref<65536xf32, #tpu.memory_space<vmem>>) dst(%dma_wait3A_81 : memref<65536xf32, #tpu.memory_space<hbm>>)
    %add3A_82 = arith.constant 393216 : i32
    %add3A_83 = arith.addi %mul3A_2, %add3A_82 : i32
    %dma_wait3A_84 = tpu.memref_slice %arg4[%add3A_83] : memref<20971520xf32, #tpu.memory_space<hbm>> -> memref<65536xf32, #tpu.memory_space<hbm>>
    %dma_wait3A_85 = tpu.memref_slice %arg4[%add3A_83] : memref<20971520xf32, #tpu.memory_space<hbm>> -> memref<65536xf32, #tpu.memory_space<hbm>>
    tpu.wait_dma2 semaphore(%arg8 : memref<!tpu.dma_semaphore, #tpu.memory_space<semaphore_mem>>) src(%arg5 : memref<65536xf32, #tpu.memory_space<vmem>>) dst(%dma_wait3A_85 : memref<65536xf32, #tpu.memory_space<hbm>>)
    %add3A_86 = arith.constant 458752 : i32
    %add3A_87 = arith.addi %mul3A_2, %add3A_86 : i32
    %dma_wait3A_88 = tpu.memref_slice %arg4[%add3A_87] : memref<20971520xf32, #tpu.memory_space<hbm>> -> memref<65536xf32, #tpu.memory_space<hbm>>
    %dma_wait3A_89 = tpu.memref_slice %arg4[%add3A_87] : memref<20971520xf32, #tpu.memory_space<hbm>> -> memref<65536xf32, #tpu.memory_space<hbm>>
    tpu.wait_dma2 semaphore(%arg8 : memref<!tpu.dma_semaphore, #tpu.memory_space<semaphore_mem>>) src(%arg5 : memref<65536xf32, #tpu.memory_space<vmem>>) dst(%dma_wait3A_89 : memref<65536xf32, #tpu.memory_space<hbm>>)
    %add3A_90 = arith.constant 524288 : i32
    %add3A_91 = arith.addi %mul3A_2, %add3A_90 : i32
    %dma_wait3A_92 = tpu.memref_slice %arg4[%add3A_91] : memref<20971520xf32, #tpu.memory_space<hbm>> -> memref<65536xf32, #tpu.memory_space<hbm>>
    %dma_wait3A_93 = tpu.memref_slice %arg4[%add3A_91] : memref<20971520xf32, #tpu.memory_space<hbm>> -> memref<65536xf32, #tpu.memory_space<hbm>>
    tpu.wait_dma2 semaphore(%arg8 : memref<!tpu.dma_semaphore, #tpu.memory_space<semaphore_mem>>) src(%arg5 : memref<65536xf32, #tpu.memory_space<vmem>>) dst(%dma_wait3A_93 : memref<65536xf32, #tpu.memory_space<hbm>>)
    %add3A_94 = arith.constant 589824 : i32
    %add3A_95 = arith.addi %mul3A_2, %add3A_94 : i32
    %dma_wait3A_96 = tpu.memref_slice %arg4[%add3A_95] : memref<20971520xf32, #tpu.memory_space<hbm>> -> memref<65536xf32, #tpu.memory_space<hbm>>
    %dma_wait3A_97 = tpu.memref_slice %arg4[%add3A_95] : memref<20971520xf32, #tpu.memory_space<hbm>> -> memref<65536xf32, #tpu.memory_space<hbm>>
    tpu.wait_dma2 semaphore(%arg8 : memref<!tpu.dma_semaphore, #tpu.memory_space<semaphore_mem>>) src(%arg5 : memref<65536xf32, #tpu.memory_space<vmem>>) dst(%dma_wait3A_97 : memref<65536xf32, #tpu.memory_space<hbm>>)
    %dma_start3A_98 = arith.constant 0 : i32
    %dma_start3A_99 = arith.constant 0 : i32
    %dma_start3A_100 = arith.constant 0 : i32
    %dma_start3A_101 = arith.constant 0 : i32
    %dma_start3A_102 = arith.constant 0 : i32
    %dma_start3A_103 = tpu.memref_slice %arg7[%dma_start3A_98, %dma_start3A_99, %dma_start3A_102] : memref<2x2x128xf32, #tpu.memory_space<vmem>> -> memref<1x1x128xf32, #tpu.memory_space<vmem>>
    %dma_start3A_104 = tpu.memref_squeeze %dma_start3A_103 : memref<1x1x128xf32, #tpu.memory_space<vmem>> -> memref<128xf32, #tpu.memory_space<vmem>>
    %dma_start3A_105 = arith.constant 0 : i32
    %dma_start3A_106 = tpu.memref_slice %arg6[%dma_start3A_100, %dma_start3A_101, %dma_start3A_105] : memref<2x2x128xi32, #tpu.memory_space<vmem>> -> memref<1x1x128xi32, #tpu.memory_space<vmem>>
    %dma_start3A_107 = tpu.memref_squeeze %dma_start3A_106 : memref<1x1x128xi32, #tpu.memory_space<vmem>> -> memref<128xi32, #tpu.memory_space<vmem>>
    %dma_start3A_108 = arith.constant 0 : i32
    %dma_start3A_109 = tpu.memref_slice %arg4[%dma_start3A_108] : memref<20971520xf32, #tpu.memory_space<hbm>> -> memref<20971520xf32, #tpu.memory_space<hbm>>
    tpu.enqueue_indirect_dma source(%dma_start3A_104 : memref<128xf32, #tpu.memory_space<vmem>>) target(%dma_start3A_109 : memref<20971520xf32, #tpu.memory_space<hbm>>) offsets(%dma_start3A_107 : memref<128xi32, #tpu.memory_space<vmem>>) semaphore(%arg9 : memref<!tpu.dma_semaphore, #tpu.memory_space<semaphore_mem>>)
    %dma_wait3A_110 = arith.constant 0 : i32
    %dma_wait3A_111 = arith.constant 0 : i32
    %dma_wait3A_112 = arith.constant 0 : i32
    %dma_wait3A_113 = arith.constant 0 : i32
    %dma_wait3A_114 = arith.constant 0 : i32
    %dma_wait3A_115 = tpu.memref_slice %arg7[%dma_wait3A_110, %dma_wait3A_111, %dma_wait3A_114] : memref<2x2x128xf32, #tpu.memory_space<vmem>> -> memref<1x1x128xf32, #tpu.memory_space<vmem>>
    %dma_wait3A_116 = tpu.memref_squeeze %dma_wait3A_115 : memref<1x1x128xf32, #tpu.memory_space<vmem>> -> memref<128xf32, #tpu.memory_space<vmem>>
    %dma_wait3A_117 = arith.constant 0 : i32
    %dma_wait3A_118 = tpu.memref_slice %arg6[%dma_wait3A_112, %dma_wait3A_113, %dma_wait3A_117] : memref<2x2x128xi32, #tpu.memory_space<vmem>> -> memref<1x1x128xi32, #tpu.memory_space<vmem>>
    %dma_wait3A_119 = tpu.memref_squeeze %dma_wait3A_118 : memref<1x1x128xi32, #tpu.memory_space<vmem>> -> memref<128xi32, #tpu.memory_space<vmem>>
    %dma_wait3A_120 = arith.constant 0 : i32
    %dma_wait3A_121 = tpu.memref_slice %arg4[%dma_wait3A_120] : memref<20971520xf32, #tpu.memory_space<hbm>> -> memref<20971520xf32, #tpu.memory_space<hbm>>
    tpu.wait_indirect_dma semaphore(%arg9 : memref<!tpu.dma_semaphore, #tpu.memory_space<semaphore_mem>>) src(%dma_wait3A_116 : memref<128xf32, #tpu.memory_space<vmem>>) dst(%dma_wait3A_121 : memref<20971520xf32, #tpu.memory_space<hbm>>)
    %dma_start3A_122 = arith.constant 0 : i32
    %dma_start3A_123 = arith.constant 1 : i32
    %dma_start3A_124 = arith.constant 0 : i32
    %dma_start3A_125 = arith.constant 1 : i32
    %dma_start3A_126 = arith.constant 0 : i32
    %dma_start3A_127 = tpu.memref_slice %arg7[%dma_start3A_122, %dma_start3A_123, %dma_start3A_126] : memref<2x2x128xf32, #tpu.memory_space<vmem>> -> memref<1x1x128xf32, #tpu.memory_space<vmem>>
    %dma_start3A_128 = tpu.memref_squeeze %dma_start3A_127 : memref<1x1x128xf32, #tpu.memory_space<vmem>> -> memref<128xf32, #tpu.memory_space<vmem>>
    %dma_start3A_129 = arith.constant 0 : i32
    %dma_start3A_130 = tpu.memref_slice %arg6[%dma_start3A_124, %dma_start3A_125, %dma_start3A_129] : memref<2x2x128xi32, #tpu.memory_space<vmem>> -> memref<1x1x128xi32, #tpu.memory_space<vmem>>
    %dma_start3A_131 = tpu.memref_squeeze %dma_start3A_130 : memref<1x1x128xi32, #tpu.memory_space<vmem>> -> memref<128xi32, #tpu.memory_space<vmem>>
    %dma_start3A_132 = arith.constant 0 : i32
    %dma_start3A_133 = tpu.memref_slice %arg4[%dma_start3A_132] : memref<20971520xf32, #tpu.memory_space<hbm>> -> memref<20971520xf32, #tpu.memory_space<hbm>>
    tpu.enqueue_indirect_dma source(%dma_start3A_128 : memref<128xf32, #tpu.memory_space<vmem>>) target(%dma_start3A_133 : memref<20971520xf32, #tpu.memory_space<hbm>>) offsets(%dma_start3A_131 : memref<128xi32, #tpu.memory_space<vmem>>) semaphore(%arg9 : memref<!tpu.dma_semaphore, #tpu.memory_space<semaphore_mem>>)
    %dma_wait3A_134 = arith.constant 0 : i32
    %dma_wait3A_135 = arith.constant 1 : i32
    %dma_wait3A_136 = arith.constant 0 : i32
    %dma_wait3A_137 = arith.constant 1 : i32
    %dma_wait3A_138 = arith.constant 0 : i32
    %dma_wait3A_139 = tpu.memref_slice %arg7[%dma_wait3A_134, %dma_wait3A_135, %dma_wait3A_138] : memref<2x2x128xf32, #tpu.memory_space<vmem>> -> memref<1x1x128xf32, #tpu.memory_space<vmem>>
    %dma_wait3A_140 = tpu.memref_squeeze %dma_wait3A_139 : memref<1x1x128xf32, #tpu.memory_space<vmem>> -> memref<128xf32, #tpu.memory_space<vmem>>
    %dma_wait3A_141 = arith.constant 0 : i32
    %dma_wait3A_142 = tpu.memref_slice %arg6[%dma_wait3A_136, %dma_wait3A_137, %dma_wait3A_141] : memref<2x2x128xi32, #tpu.memory_space<vmem>> -> memref<1x1x128xi32, #tpu.memory_space<vmem>>
    %dma_wait3A_143 = tpu.memref_squeeze %dma_wait3A_142 : memref<1x1x128xi32, #tpu.memory_space<vmem>> -> memref<128xi32, #tpu.memory_space<vmem>>
    %dma_wait3A_144 = arith.constant 0 : i32
    %dma_wait3A_145 = tpu.memref_slice %arg4[%dma_wait3A_144] : memref<20971520xf32, #tpu.memory_space<hbm>> -> memref<20971520xf32, #tpu.memory_space<hbm>>
    tpu.wait_indirect_dma semaphore(%arg9 : memref<!tpu.dma_semaphore, #tpu.memory_space<semaphore_mem>>) src(%dma_wait3A_140 : memref<128xf32, #tpu.memory_space<vmem>>) dst(%dma_wait3A_145 : memref<20971520xf32, #tpu.memory_space<hbm>>)
    %dma_start3A_146 = arith.constant 1 : i32
    %dma_start3A_147 = arith.constant 0 : i32
    %dma_start3A_148 = arith.constant 1 : i32
    %dma_start3A_149 = arith.constant 0 : i32
    %dma_start3A_150 = arith.constant 0 : i32
    %dma_start3A_151 = tpu.memref_slice %arg7[%dma_start3A_146, %dma_start3A_147, %dma_start3A_150] : memref<2x2x128xf32, #tpu.memory_space<vmem>> -> memref<1x1x128xf32, #tpu.memory_space<vmem>>
    %dma_start3A_152 = tpu.memref_squeeze %dma_start3A_151 : memref<1x1x128xf32, #tpu.memory_space<vmem>> -> memref<128xf32, #tpu.memory_space<vmem>>
    %dma_start3A_153 = arith.constant 0 : i32
    %dma_start3A_154 = tpu.memref_slice %arg6[%dma_start3A_148, %dma_start3A_149, %dma_start3A_153] : memref<2x2x128xi32, #tpu.memory_space<vmem>> -> memref<1x1x128xi32, #tpu.memory_space<vmem>>
    %dma_start3A_155 = tpu.memref_squeeze %dma_start3A_154 : memref<1x1x128xi32, #tpu.memory_space<vmem>> -> memref<128xi32, #tpu.memory_space<vmem>>
    %dma_start3A_156 = arith.constant 0 : i32
    %dma_start3A_157 = tpu.memref_slice %arg4[%dma_start3A_156] : memref<20971520xf32, #tpu.memory_space<hbm>> -> memref<20971520xf32, #tpu.memory_space<hbm>>
    tpu.enqueue_indirect_dma source(%dma_start3A_152 : memref<128xf32, #tpu.memory_space<vmem>>) target(%dma_start3A_157 : memref<20971520xf32, #tpu.memory_space<hbm>>) offsets(%dma_start3A_155 : memref<128xi32, #tpu.memory_space<vmem>>) semaphore(%arg9 : memref<!tpu.dma_semaphore, #tpu.memory_space<semaphore_mem>>)
    %dma_wait3A_158 = arith.constant 1 : i32
    %dma_wait3A_159 = arith.constant 0 : i32
    %dma_wait3A_160 = arith.constant 1 : i32
    %dma_wait3A_161 = arith.constant 0 : i32
    %dma_wait3A_162 = arith.constant 0 : i32
    %dma_wait3A_163 = tpu.memref_slice %arg7[%dma_wait3A_158, %dma_wait3A_159, %dma_wait3A_162] : memref<2x2x128xf32, #tpu.memory_space<vmem>> -> memref<1x1x128xf32, #tpu.memory_space<vmem>>
    %dma_wait3A_164 = tpu.memref_squeeze %dma_wait3A_163 : memref<1x1x128xf32, #tpu.memory_space<vmem>> -> memref<128xf32, #tpu.memory_space<vmem>>
    %dma_wait3A_165 = arith.constant 0 : i32
    %dma_wait3A_166 = tpu.memref_slice %arg6[%dma_wait3A_160, %dma_wait3A_161, %dma_wait3A_165] : memref<2x2x128xi32, #tpu.memory_space<vmem>> -> memref<1x1x128xi32, #tpu.memory_space<vmem>>
    %dma_wait3A_167 = tpu.memref_squeeze %dma_wait3A_166 : memref<1x1x128xi32, #tpu.memory_space<vmem>> -> memref<128xi32, #tpu.memory_space<vmem>>
    %dma_wait3A_168 = arith.constant 0 : i32
    %dma_wait3A_169 = tpu.memref_slice %arg4[%dma_wait3A_168] : memref<20971520xf32, #tpu.memory_space<hbm>> -> memref<20971520xf32, #tpu.memory_space<hbm>>
    tpu.wait_indirect_dma semaphore(%arg9 : memref<!tpu.dma_semaphore, #tpu.memory_space<semaphore_mem>>) src(%dma_wait3A_164 : memref<128xf32, #tpu.memory_space<vmem>>) dst(%dma_wait3A_169 : memref<20971520xf32, #tpu.memory_space<hbm>>)
    %dma_start3A_170 = arith.constant 1 : i32
    %dma_start3A_171 = arith.constant 1 : i32
    %dma_start3A_172 = arith.constant 1 : i32
    %dma_start3A_173 = arith.constant 1 : i32
    %dma_start3A_174 = arith.constant 0 : i32
    %dma_start3A_175 = tpu.memref_slice %arg7[%dma_start3A_170, %dma_start3A_171, %dma_start3A_174] : memref<2x2x128xf32, #tpu.memory_space<vmem>> -> memref<1x1x128xf32, #tpu.memory_space<vmem>>
    %dma_start3A_176 = tpu.memref_squeeze %dma_start3A_175 : memref<1x1x128xf32, #tpu.memory_space<vmem>> -> memref<128xf32, #tpu.memory_space<vmem>>
    %dma_start3A_177 = arith.constant 0 : i32
    %dma_start3A_178 = tpu.memref_slice %arg6[%dma_start3A_172, %dma_start3A_173, %dma_start3A_177] : memref<2x2x128xi32, #tpu.memory_space<vmem>> -> memref<1x1x128xi32, #tpu.memory_space<vmem>>
    %dma_start3A_179 = tpu.memref_squeeze %dma_start3A_178 : memref<1x1x128xi32, #tpu.memory_space<vmem>> -> memref<128xi32, #tpu.memory_space<vmem>>
    %dma_start3A_180 = arith.constant 0 : i32
    %dma_start3A_181 = tpu.memref_slice %arg4[%dma_start3A_180] : memref<20971520xf32, #tpu.memory_space<hbm>> -> memref<20971520xf32, #tpu.memory_space<hbm>>
    tpu.enqueue_indirect_dma source(%dma_start3A_176 : memref<128xf32, #tpu.memory_space<vmem>>) target(%dma_start3A_181 : memref<20971520xf32, #tpu.memory_space<hbm>>) offsets(%dma_start3A_179 : memref<128xi32, #tpu.memory_space<vmem>>) semaphore(%arg9 : memref<!tpu.dma_semaphore, #tpu.memory_space<semaphore_mem>>)
    %dma_wait3A_182 = arith.constant 1 : i32
    %dma_wait3A_183 = arith.constant 1 : i32
    %dma_wait3A_184 = arith.constant 1 : i32
    %dma_wait3A_185 = arith.constant 1 : i32
    %dma_wait3A_186 = arith.constant 0 : i32
    %dma_wait3A_187 = tpu.memref_slice %arg7[%dma_wait3A_182, %dma_wait3A_183, %dma_wait3A_186] : memref<2x2x128xf32, #tpu.memory_space<vmem>> -> memref<1x1x128xf32, #tpu.memory_space<vmem>>
    %dma_wait3A_188 = tpu.memref_squeeze %dma_wait3A_187 : memref<1x1x128xf32, #tpu.memory_space<vmem>> -> memref<128xf32, #tpu.memory_space<vmem>>
    %dma_wait3A_189 = arith.constant 0 : i32
    %dma_wait3A_190 = tpu.memref_slice %arg6[%dma_wait3A_184, %dma_wait3A_185, %dma_wait3A_189] : memref<2x2x128xi32, #tpu.memory_space<vmem>> -> memref<1x1x128xi32, #tpu.memory_space<vmem>>
    %dma_wait3A_191 = tpu.memref_squeeze %dma_wait3A_190 : memref<1x1x128xi32, #tpu.memory_space<vmem>> -> memref<128xi32, #tpu.memory_space<vmem>>
    %dma_wait3A_192 = arith.constant 0 : i32
    %dma_wait3A_193 = tpu.memref_slice %arg4[%dma_wait3A_192] : memref<20971520xf32, #tpu.memory_space<hbm>> -> memref<20971520xf32, #tpu.memory_space<hbm>>
    tpu.wait_indirect_dma semaphore(%arg9 : memref<!tpu.dma_semaphore, #tpu.memory_space<semaphore_mem>>) src(%dma_wait3A_188 : memref<128xf32, #tpu.memory_space<vmem>>) dst(%dma_wait3A_193 : memref<20971520xf32, #tpu.memory_space<hbm>>)
    return
  }
}

module attributes {stable_mosaic.version = 14 : i64} {
  func.func @_route_kernel(%arg0: i32, %arg1: i32, %arg2: memref<1x128x1024xf32, #tpu.memory_space<vmem>>, %arg3: memref<1024x8xf32, #tpu.memory_space<vmem>>, %arg4: memref<1x2x128xi32, #tpu.memory_space<vmem>>, %arg5: memref<1x2x128xf32, #tpu.memory_space<vmem>>, %arg6: memref<8x2048xf32, #tpu.memory_space<vmem>>, %arg7: memref<16x128xf32, #tpu.memory_space<vmem>>, %arg8: memref<128x128xf32, #tpu.memory_space<vmem>>) attributes {dimension_semantics = [#tpu.dimension_semantics<arbitrary>, #tpu.dimension_semantics<arbitrary>], iteration_bounds = array<i64: 5, 16>, scalar_prefetch = 0 : i64, scratch_operands = 3 : i64, tpu.core_type = #tpu.core_type<tc>, window_params = [{transform_indices = @transform_0, window_bounds = array<i64: 1, 128, 1024>}, {pipeline_mode = #tpu.pipeline_mode<synchronous>, transform_indices = @transform_1, window_bounds = array<i64: 1024, 8>}, {transform_indices = @transform_2, window_bounds = array<i64: 1, 2, 128>}, {transform_indices = @transform_3, window_bounds = array<i64: 1, 2, 128>}]} {
    %eq3A = arith.constant 0 : i32
    %eq3A_0 = arith.cmpi eq, %arg0, %eq3A : i32
    %eq3A_1 = arith.constant 0 : i32
    %eq3A_2 = arith.cmpi eq, %arg1, %eq3A_1 : i32
    %and3A = arith.andi %eq3A_0, %eq3A_2 : i1
    %convert_element_type3A = arith.extui %and3A : i1 to i32
    %cond3A = arith.constant 0 : i32
    %cond3A_3 = arith.cmpi ne, %convert_element_type3A, %cond3A : i32
    scf.if %cond3A_3 {
      %iota3A = tpu.iota {dimensions = array<i32: 0>} : vector<128x128xi32>
      %iota3A_12 = tpu.iota {dimensions = array<i32: 1>} : vector<128x128xi32>
      %lt3A_13 = arith.cmpi slt, %iota3A, %iota3A_12 : vector<128x128xi32>
      %convert_element_type3A_14 = arith.extui %lt3A_13 : vector<128x128xi1> to vector<128x128xi32>
      %convert_element_type3A_15 = arith.sitofp %convert_element_type3A_14 : vector<128x128xi32> to vector<128x128xf32>
      %swap3A = arith.constant 0 : index
      %swap3A_16 = arith.constant 0 : index
      %swap3A_17 = vector.load %arg8[%swap3A, %swap3A_16] : memref<128x128xf32, #tpu.memory_space<vmem>>, vector<128x128xf32>
      tpu.vector_store %arg8[%swap3A, %swap3A_16], %convert_element_type3A_15 {strides = array<i32>} : memref<128x128xf32, #tpu.memory_space<vmem>>, vector<128x128xf32>,
    } else {
    }
    %gt3A = arith.constant 0 : i32
    %gt3A_4 = arith.cmpi sgt, %arg0, %gt3A : i32
    %convert_element_type3A_5 = arith.extui %gt3A_4 : i1 to i32
    %cond3A_6 = arith.constant 0 : i32
    %cond3A_7 = arith.cmpi ne, %convert_element_type3A_5, %cond3A_6 : i32
    scf.if %cond3A_7 {
      %mul3A = arith.constant 128 : i32
      %mul3A_12 = arith.muli %arg1, %mul3A : i32
      %get3A = arith.constant 0 : index
      %get3A_13 = arith.index_cast %mul3A_12 : i32 to index
      %get3A_14 = vector.load %arg6[%get3A, %get3A_13] : memref<8x2048xf32, #tpu.memory_space<vmem>>, vector<8x128xf32>
      %slice3A = vector.extract_strided_slice %get3A_14 {offsets = [0, 0], sizes = [1, 128], strides = [1, 1]} : vector<8x128xf32> to vector<1x128xf32>
      %slice3A_15 = vector.extract_strided_slice %get3A_14 {offsets = [1, 0], sizes = [1, 128], strides = [1, 1]} : vector<8x128xf32> to vector<1x128xf32>
      %slice3A_16 = vector.extract_strided_slice %get3A_14 {offsets = [2, 0], sizes = [1, 128], strides = [1, 1]} : vector<8x128xf32> to vector<1x128xf32>
      %slice3A_17 = vector.extract_strided_slice %get3A_14 {offsets = [3, 0], sizes = [1, 128], strides = [1, 1]} : vector<8x128xf32> to vector<1x128xf32>
      %slice3A_18 = vector.extract_strided_slice %get3A_14 {offsets = [4, 0], sizes = [1, 128], strides = [1, 1]} : vector<8x128xf32> to vector<1x128xf32>
      %slice3A_19 = vector.extract_strided_slice %get3A_14 {offsets = [5, 0], sizes = [1, 128], strides = [1, 1]} : vector<8x128xf32> to vector<1x128xf32>
      %slice3A_20 = vector.extract_strided_slice %get3A_14 {offsets = [6, 0], sizes = [1, 128], strides = [1, 1]} : vector<8x128xf32> to vector<1x128xf32>
      %get3A_21 = arith.constant 0 : index
      %get3A_22 = arith.constant 1 : index
      %get3A_23 = vector.load %arg7[%get3A_21, %get3A_22] : memref<16x128xf32, #tpu.memory_space<vmem>>, vector<8x1xf32>
      %iota3A = tpu.iota {dimensions = array<i32: 0>} : vector<8x128xi32>
      %convert_element_type3A_24 = arith.fptosi %slice3A_17 : vector<1x128xf32> to vector<1x128xi32>
      %eq3A_25 = vector.broadcast %convert_element_type3A_24 : vector<1x128xi32> to vector<8x128xi32>
      %eq3A_26 = arith.cmpi eq, %iota3A, %eq3A_25 : vector<8x128xi32>
      %jit3A = arith.constant 0.000000e+00 : f32
      %broadcast_in_dim3A = vector.shape_cast %get3A_23 : vector<8x1xf32> to vector<8x1xf32>
      %broadcast_in_dim3A_27 = vector.broadcast %broadcast_in_dim3A : vector<8x1xf32> to vector<8x128xf32>
      %broadcast_in_dim3A_28 = vector.broadcast %jit3A : f32 to vector<8x128xf32>
      %select_n3A = arith.select %eq3A_26, %broadcast_in_dim3A_27, %broadcast_in_dim3A_28 : vector<8x128xi1>, vector<8x128xf32>
      %reduce_sum3A = arith.constant dense<0.000000e+00> : vector<128xf32>
      %reduce_sum3A_29 = vector.multi_reduction <add>, %select_n3A, %reduce_sum3A [0] : vector<8x128xf32> to vector<128xf32>
      %broadcast_in_dim3A_30 = vector.shape_cast %reduce_sum3A_29 : vector<128xf32> to vector<1x128xf32>
      %add3A = arith.addf %slice3A_19, %broadcast_in_dim3A_30 : vector<1x128xf32>
      %mul3A_31 = arith.mulf %add3A, %slice3A_20 : vector<1x128xf32>
      %lt3A_32 = arith.constant 3.200000e+02 : f32
      %lt3A_33 = vector.broadcast %lt3A_32 : f32 to vector<1x128xf32>
      %lt3A_34 = arith.cmpf olt, %mul3A_31, %lt3A_33 : vector<1x128xf32>
      %convert_element_type3A_35 = arith.extui %lt3A_34 : vector<1x128xi1> to vector<1x128xi32>
      %convert_element_type3A_36 = arith.sitofp %convert_element_type3A_35 : vector<1x128xi32> to vector<1x128xf32>
      %mul3A_37 = arith.mulf %slice3A_18, %slice3A_20 : vector<1x128xf32>
      %mul3A_38 = arith.mulf %mul3A_37, %convert_element_type3A_36 : vector<1x128xf32>
      %mul3A_39 = arith.mulf %mul3A_31, %convert_element_type3A_36 : vector<1x128xf32>
      %iota3A_40 = tpu.iota {dimensions = array<i32: 1>} : vector<1x128xi32>
      %sub3A = arith.constant 1 : i32
      %sub3A_41 = arith.subi %arg0, %sub3A : i32
      %mul3A_42 = arith.constant 2048 : i32
      %mul3A_43 = arith.muli %sub3A_41, %mul3A_42 : i32
      %mul3A_44 = arith.constant 128 : i32
      %mul3A_45 = arith.muli %arg1, %mul3A_44 : i32
      %add3A_46 = arith.addi %mul3A_43, %mul3A_45 : i32
      %add3A_47 = vector.broadcast %add3A_46 : i32 to vector<1x128xi32>
      %add3A_48 = arith.addi %add3A_47, %iota3A_40 : vector<1x128xi32>
      %mul3A_49 = arith.constant 2560 : i32
      %mul3A_50 = vector.broadcast %mul3A_49 : i32 to vector<1x128xi32>
      %mul3A_51 = arith.muli %add3A_48, %mul3A_50 : vector<1x128xi32>
      %convert_element_type3A_52 = arith.fptosi %slice3A : vector<1x128xf32> to vector<1x128xi32>
      %mul3A_53 = arith.constant 320 : i32
      %mul3A_54 = vector.broadcast %mul3A_53 : i32 to vector<1x128xi32>
      %mul3A_55 = arith.muli %convert_element_type3A_52, %mul3A_54 : vector<1x128xi32>
      %add3A_56 = arith.addi %mul3A_51, %mul3A_55 : vector<1x128xi32>
      %convert_element_type3A_57 = arith.fptosi %slice3A_15 : vector<1x128xf32> to vector<1x128xi32>
      %add3A_58 = arith.addi %add3A_56, %convert_element_type3A_57 : vector<1x128xi32>
      %convert_element_type3A_59 = arith.fptosi %slice3A_17 : vector<1x128xf32> to vector<1x128xi32>
      %mul3A_60 = arith.constant 320 : i32
      %mul3A_61 = vector.broadcast %mul3A_60 : i32 to vector<1x128xi32>
      %mul3A_62 = arith.muli %convert_element_type3A_59, %mul3A_61 : vector<1x128xi32>
      %add3A_63 = arith.addi %mul3A_51, %mul3A_62 : vector<1x128xi32>
      %convert_element_type3A_64 = arith.fptosi %mul3A_39 : vector<1x128xf32> to vector<1x128xi32>
      %add3A_65 = arith.addi %add3A_63, %convert_element_type3A_64 : vector<1x128xi32>
      %concatenate3A = tpu.concatenate %add3A_58, %add3A_65 in 0 : vector<1x128xi32>, vector<1x128xi32> -> vector<2x128xi32>
      %swap3A = arith.constant 0 : index
      %swap3A_66 = arith.constant 0 : index
      %swap3A_67 = arith.constant 0 : index
      %swap3A_68 = vector.load %arg4[%swap3A, %swap3A_66, %swap3A_67] : memref<1x2x128xi32, #tpu.memory_space<vmem>>, vector<1x2x128xi32>
      %swap3A_69 = vector.shape_cast %swap3A_68 : vector<1x2x128xi32> to vector<2x128xi32>
      %swap3A_70 = vector.shape_cast %concatenate3A : vector<2x128xi32> to vector<1x2x128xi32>
      tpu.vector_store %arg4[%swap3A, %swap3A_66, %swap3A_67], %swap3A_70 {strides = array<i32>} : memref<1x2x128xi32, #tpu.memory_space<vmem>>, vector<1x2x128xi32>,
      %concatenate3A_71 = tpu.concatenate %slice3A_16, %mul3A_38 in 0 : vector<1x128xf32>, vector<1x128xf32> -> vector<2x128xf32>
      %swap3A_72 = arith.constant 0 : index
      %swap3A_73 = arith.constant 0 : index
      %swap3A_74 = arith.constant 0 : index
      %swap3A_75 = vector.load %arg5[%swap3A_72, %swap3A_73, %swap3A_74] : memref<1x2x128xf32, #tpu.memory_space<vmem>>, vector<1x2x128xf32>
      %swap3A_76 = vector.shape_cast %swap3A_75 : vector<1x2x128xf32> to vector<2x128xf32>
      %swap3A_77 = vector.shape_cast %concatenate3A_71 : vector<2x128xf32> to vector<1x2x128xf32>
      tpu.vector_store %arg5[%swap3A_72, %swap3A_73, %swap3A_74], %swap3A_77 {strides = array<i32>} : memref<1x2x128xf32, #tpu.memory_space<vmem>>, vector<1x2x128xf32>,
    } else {
    }
    %lt3A = arith.constant 4 : i32
    %lt3A_8 = arith.cmpi slt, %arg0, %lt3A : i32
    %convert_element_type3A_9 = arith.extui %lt3A_8 : i1 to i32
    %cond3A_10 = arith.constant 0 : i32
    %cond3A_11 = arith.cmpi ne, %convert_element_type3A_9, %cond3A_10 : i32
    scf.if %cond3A_11 {
      %get3A = arith.constant 0 : index
      %get3A_12 = arith.constant 0 : index
      %get3A_13 = arith.constant 0 : index
      %get3A_14 = vector.load %arg2[%get3A, %get3A_12, %get3A_13] : memref<1x128x1024xf32, #tpu.memory_space<vmem>>, vector<1x128x1024xf32>
      %get3A_15 = vector.shape_cast %get3A_14 : vector<1x128x1024xf32> to vector<128x1024xf32>
      %get3A_16 = arith.constant 0 : index
      %get3A_17 = arith.constant 0 : index
      %get3A_18 = vector.load %arg3[%get3A_16, %get3A_17] : memref<1024x8xf32, #tpu.memory_space<vmem>>, vector<1024x8xf32>
      %dot_general3A = arith.constant dense<0.000000e+00> : vector<128x8xf32>
      %dot_general3A_19 = tpu.matmul %get3A_15, %get3A_18, %dot_general3A {dimension_numbers = #tpu.dot_dimension_numbers<[1], [0], [0], [1], [0, 0, 1, 1], [], []>, transpose_lhs_hint = false} : vector<128x1024xf32>, vector<1024x8xf32>, vector<128x8xf32> -> vector<128x8xf32>
      %transpose3A = tpu.transpose %dot_general3A_19, [1, 0] : vector<128x8xf32> -> vector<8x128xf32>
      %iota3A = tpu.iota {dimensions = array<i32: 0>} : vector<8x128xi32>
      %reduce_max3A = arith.constant dense<0xFF800000> : vector<128xf32>
      %reduce_max3A_20 = vector.multi_reduction <maximumf>, %transpose3A, %reduce_max3A [0] : vector<8x128xf32> to vector<128xf32>
      %broadcast_in_dim3A = vector.shape_cast %reduce_max3A_20 : vector<128xf32> to vector<1x128xf32>
      %sub3A = vector.broadcast %broadcast_in_dim3A : vector<1x128xf32> to vector<8x128xf32>
      %sub3A_21 = arith.subf %transpose3A, %sub3A : vector<8x128xf32>
      %exp3A = math.exp %sub3A_21 : vector<8x128xf32>
      %reduce_sum3A = arith.constant dense<0.000000e+00> : vector<128xf32>
      %reduce_sum3A_22 = vector.multi_reduction <add>, %exp3A, %reduce_sum3A [0] : vector<8x128xf32> to vector<128xf32>
      %broadcast_in_dim3A_23 = vector.shape_cast %reduce_sum3A_22 : vector<128xf32> to vector<1x128xf32>
      %div3A = vector.broadcast %broadcast_in_dim3A_23 : vector<1x128xf32> to vector<8x128xf32>
      %div3A_24 = arith.divf %exp3A, %div3A : vector<8x128xf32>
      %reduce_max3A_25 = arith.constant dense<0xFF800000> : vector<128xf32>
      %reduce_max3A_26 = vector.multi_reduction <maximumf>, %div3A_24, %reduce_max3A_25 [0] : vector<8x128xf32> to vector<128xf32>
      %broadcast_in_dim3A_27 = vector.shape_cast %reduce_max3A_26 : vector<128xf32> to vector<1x128xf32>
      %eq3A_28 = vector.broadcast %broadcast_in_dim3A_27 : vector<1x128xf32> to vector<8x128xf32>
      %eq3A_29 = arith.cmpf oeq, %div3A_24, %eq3A_28 : vector<8x128xf32>
      %jit3A = arith.constant 8 : i32
      %broadcast_in_dim3A_30 = vector.broadcast %jit3A : i32 to vector<8x128xi32>
      %select_n3A = arith.select %eq3A_29, %iota3A, %broadcast_in_dim3A_30 : vector<8x128xi1>, vector<8x128xi32>
      %reduce_min3A = arith.constant dense<2147483647> : vector<128xi32>
      %reduce_min3A_31 = vector.multi_reduction <minsi>, %select_n3A, %reduce_min3A [0] : vector<8x128xi32> to vector<128xi32>
      %broadcast_in_dim3A_32 = vector.shape_cast %reduce_min3A_31 : vector<128xi32> to vector<1x128xi32>
      %eq3A_33 = vector.broadcast %broadcast_in_dim3A_32 : vector<1x128xi32> to vector<8x128xi32>
      %eq3A_34 = arith.cmpi eq, %iota3A, %eq3A_33 : vector<8x128xi32>
      %convert_element_type3A_35 = arith.extui %eq3A_34 : vector<8x128xi1> to vector<8x128xi32>
      %convert_element_type3A_36 = arith.sitofp %convert_element_type3A_35 : vector<8x128xi32> to vector<8x128xf32>
      %sub3A_37 = arith.constant 1.000000e+00 : f32
      %sub3A_38 = vector.broadcast %sub3A_37 : f32 to vector<8x128xf32>
      %sub3A_39 = arith.subf %sub3A_38, %convert_element_type3A_36 : vector<8x128xf32>
      %mul3A = arith.mulf %div3A_24, %sub3A_39 : vector<8x128xf32>
      %reduce_max3A_40 = arith.constant dense<0xFF800000> : vector<128xf32>
      %reduce_max3A_41 = vector.multi_reduction <maximumf>, %mul3A, %reduce_max3A_40 [0] : vector<8x128xf32> to vector<128xf32>
      %broadcast_in_dim3A_42 = vector.shape_cast %reduce_max3A_41 : vector<128xf32> to vector<1x128xf32>
      %eq3A_43 = vector.broadcast %broadcast_in_dim3A_42 : vector<1x128xf32> to vector<8x128xf32>
      %eq3A_44 = arith.cmpf oeq, %mul3A, %eq3A_43 : vector<8x128xf32>
      %jit3A_45 = arith.constant 8 : i32
      %broadcast_in_dim3A_46 = vector.broadcast %jit3A_45 : i32 to vector<8x128xi32>
      %select_n3A_47 = arith.select %eq3A_44, %iota3A, %broadcast_in_dim3A_46 : vector<8x128xi1>, vector<8x128xi32>
      %reduce_min3A_48 = arith.constant dense<2147483647> : vector<128xi32>
      %reduce_min3A_49 = vector.multi_reduction <minsi>, %select_n3A_47, %reduce_min3A_48 [0] : vector<8x128xi32> to vector<128xi32>
      %broadcast_in_dim3A_50 = vector.shape_cast %reduce_min3A_49 : vector<128xi32> to vector<1x128xi32>
      %add3A = arith.addf %broadcast_in_dim3A_27, %broadcast_in_dim3A_42 : vector<1x128xf32>
      %add3A_51 = arith.constant 9.99999971E-10 : f32
      %add3A_52 = vector.broadcast %add3A_51 : f32 to vector<1x128xf32>
      %add3A_53 = arith.addf %add3A, %add3A_52 : vector<1x128xf32>
      %div3A_54 = arith.divf %broadcast_in_dim3A_27, %add3A_53 : vector<1x128xf32>
      %add3A_55 = arith.addf %div3A_54, %broadcast_in_dim3A_42 : vector<1x128xf32>
      %add3A_56 = arith.constant 9.99999971E-10 : f32
      %add3A_57 = vector.broadcast %add3A_56 : f32 to vector<1x128xf32>
      %add3A_58 = arith.addf %add3A_55, %add3A_57 : vector<1x128xf32>
      %div3A_59 = arith.divf %broadcast_in_dim3A_42, %add3A_58 : vector<1x128xf32>
      %eq3A_60 = vector.broadcast %broadcast_in_dim3A_50 : vector<1x128xi32> to vector<8x128xi32>
      %eq3A_61 = arith.cmpi eq, %iota3A, %eq3A_60 : vector<8x128xi32>
      %convert_element_type3A_62 = arith.extui %eq3A_61 : vector<8x128xi1> to vector<8x128xi32>
      %convert_element_type3A_63 = arith.sitofp %convert_element_type3A_62 : vector<8x128xi32> to vector<8x128xf32>
      %gt3A_64 = arith.constant 2.000000e-01 : f32
      %gt3A_65 = vector.broadcast %gt3A_64 : f32 to vector<1x128xf32>
      %gt3A_66 = arith.cmpf ogt, %div3A_59, %gt3A_65 : vector<1x128xf32>
      %convert_element_type3A_67 = arith.extui %gt3A_66 : vector<1x128xi1> to vector<1x128xi32>
      %convert_element_type3A_68 = arith.sitofp %convert_element_type3A_67 : vector<1x128xi32> to vector<1x128xf32>
      %mul3A_69 = vector.broadcast %convert_element_type3A_68 : vector<1x128xf32> to vector<8x128xf32>
      %mul3A_70 = arith.mulf %convert_element_type3A_63, %mul3A_69 : vector<8x128xf32>
      %concatenate3A = tpu.concatenate %convert_element_type3A_36, %mul3A_70 in 0 : vector<8x128xf32>, vector<8x128xf32> -> vector<16x128xf32>
      %get3A_71 = arith.constant 0 : index
      %get3A_72 = arith.constant 0 : index
      %get3A_73 = vector.load %arg8[%get3A_71, %get3A_72] : memref<128x128xf32, #tpu.memory_space<vmem>>, vector<128x128xf32>
      %dot_general3A_74 = arith.constant dense<0.000000e+00> : vector<16x128xf32>
      %dot_general3A_75 = tpu.matmul %concatenate3A, %get3A_73, %dot_general3A_74 {dimension_numbers = #tpu.dot_dimension_numbers<[1], [0], [0], [1], [0, 0, 1, 1], [], []>, transpose_lhs_hint = false} : vector<16x128xf32>, vector<128x128xf32>, vector<16x128xf32> -> vector<16x128xf32>
      %eq3A_76 = arith.constant 0 : i32
      %eq3A_77 = arith.cmpi eq, %arg1, %eq3A_76 : i32
      %get3A_78 = arith.constant 0 : index
      %get3A_79 = arith.constant 0 : index
      %get3A_80 = vector.load %arg7[%get3A_78, %get3A_79] : memref<16x128xf32, #tpu.memory_space<vmem>>, vector<16x1xf32>
      %jit3A_81 = arith.constant 0.000000e+00 : f32
      %broadcast_in_dim3A_82 = vector.broadcast %jit3A_81 : f32 to vector<16x1xf32>
      %select_n3A_83 = arith.select %eq3A_77, %broadcast_in_dim3A_82, %get3A_80 : vector<16x1xf32>
      %reduce_sum3A_84 = arith.constant dense<0.000000e+00> : vector<16xf32>
      %reduce_sum3A_85 = vector.multi_reduction <add>, %concatenate3A, %reduce_sum3A_84 [1] : vector<16x128xf32> to vector<16xf32>
      %broadcast_in_dim3A_86 = vector.shape_cast %reduce_sum3A_85 : vector<16xf32> to vector<16x1xf32>
      %add3A_87 = arith.addf %select_n3A_83, %broadcast_in_dim3A_86 : vector<16x1xf32>
      %swap3A = arith.constant 0 : index
      %swap3A_88 = arith.constant 0 : index
      %swap3A_89 = vector.load %arg7[%swap3A, %swap3A_88] : memref<16x128xf32, #tpu.memory_space<vmem>>, vector<16x1xf32>
      tpu.vector_store %arg7[%swap3A, %swap3A_88], %add3A_87 {strides = array<i32>} : memref<16x128xf32, #tpu.memory_space<vmem>>, vector<16x1xf32>,
      %slice3A = vector.extract_strided_slice %select_n3A_83 {offsets = [0, 0], sizes = [8, 1], strides = [1, 1]} : vector<16x1xf32> to vector<8x1xf32>
      %slice3A_90 = vector.extract_strided_slice %select_n3A_83 {offsets = [8, 0], sizes = [8, 1], strides = [1, 1]} : vector<16x1xf32> to vector<8x1xf32>
      %slice3A_91 = vector.extract_strided_slice %dot_general3A_75 {offsets = [0, 0], sizes = [8, 128], strides = [1, 1]} : vector<16x128xf32> to vector<8x128xf32>
      %slice3A_92 = vector.extract_strided_slice %dot_general3A_75 {offsets = [8, 0], sizes = [8, 128], strides = [1, 1]} : vector<16x128xf32> to vector<8x128xf32>
      %add3A_93 = vector.broadcast %slice3A : vector<8x1xf32> to vector<8x128xf32>
      %add3A_94 = arith.addf %add3A_93, %slice3A_91 : vector<8x128xf32>
      %mul3A_95 = arith.mulf %add3A_94, %convert_element_type3A_36 : vector<8x128xf32>
      %lt3A_96 = arith.constant 3.200000e+02 : f32
      %lt3A_97 = vector.broadcast %lt3A_96 : f32 to vector<8x128xf32>
      %lt3A_98 = arith.cmpf olt, %mul3A_95, %lt3A_97 : vector<8x128xf32>
      %convert_element_type3A_99 = arith.extui %lt3A_98 : vector<8x128xi1> to vector<8x128xi32>
      %convert_element_type3A_100 = arith.sitofp %convert_element_type3A_99 : vector<8x128xi32> to vector<8x128xf32>
      %mul3A_101 = arith.mulf %convert_element_type3A_36, %convert_element_type3A_100 : vector<8x128xf32>
      %reduce_sum3A_102 = arith.constant dense<0.000000e+00> : vector<128xf32>
      %reduce_sum3A_103 = vector.multi_reduction <add>, %mul3A_101, %reduce_sum3A_102 [0] : vector<8x128xf32> to vector<128xf32>
      %broadcast_in_dim3A_104 = vector.shape_cast %reduce_sum3A_103 : vector<128xf32> to vector<1x128xf32>
      %mul3A_105 = arith.mulf %mul3A_95, %mul3A_101 : vector<8x128xf32>
      %reduce_sum3A_106 = arith.constant dense<0.000000e+00> : vector<128xf32>
      %reduce_sum3A_107 = vector.multi_reduction <add>, %mul3A_105, %reduce_sum3A_106 [0] : vector<8x128xf32> to vector<128xf32>
      %broadcast_in_dim3A_108 = vector.shape_cast %reduce_sum3A_107 : vector<128xf32> to vector<1x128xf32>
      %mul3A_109 = arith.mulf %div3A_54, %broadcast_in_dim3A_104 : vector<1x128xf32>
      %add3A_110 = vector.broadcast %slice3A_90 : vector<8x1xf32> to vector<8x128xf32>
      %add3A_111 = arith.addf %add3A_110, %slice3A_92 : vector<8x128xf32>
      %mul3A_112 = arith.mulf %add3A_111, %mul3A_70 : vector<8x128xf32>
      %reduce_sum3A_113 = arith.constant dense<0.000000e+00> : vector<128xf32>
      %reduce_sum3A_114 = vector.multi_reduction <add>, %mul3A_112, %reduce_sum3A_113 [0] : vector<8x128xf32> to vector<128xf32>
      %broadcast_in_dim3A_115 = vector.shape_cast %reduce_sum3A_114 : vector<128xf32> to vector<1x128xf32>
      %reduce_sum3A_116 = arith.constant dense<0.000000e+00> : vector<128xf32>
      %reduce_sum3A_117 = vector.multi_reduction <add>, %mul3A_70, %reduce_sum3A_116 [0] : vector<8x128xf32> to vector<128xf32>
      %broadcast_in_dim3A_118 = vector.shape_cast %reduce_sum3A_117 : vector<128xf32> to vector<1x128xf32>
      %eq3A_119 = arith.constant 15 : i32
      %eq3A_120 = arith.cmpi eq, %arg1, %eq3A_119 : i32
      %convert_element_type3A_121 = arith.extui %eq3A_120 : i1 to i32
      %cond3A_122 = arith.constant 0 : i32
      %cond3A_123 = arith.cmpi ne, %convert_element_type3A_121, %cond3A_122 : i32
      scf.if %cond3A_123 {
        %slice3A_134 = vector.extract_strided_slice %add3A_87 {offsets = [0, 0], sizes = [8, 1], strides = [1, 1]} : vector<16x1xf32> to vector<8x1xf32>
        %min3A = arith.constant 3.200000e+02 : f32
        %min3A_135 = vector.broadcast %min3A : f32 to vector<8x1xf32>
        %min3A_136 = arith.minimumf %slice3A_134, %min3A_135 : vector<8x1xf32>
        %swap3A_137 = arith.constant 0 : index
        %swap3A_138 = arith.constant 1 : index
        %swap3A_139 = vector.load %arg7[%swap3A_137, %swap3A_138] : memref<16x128xf32, #tpu.memory_space<vmem>>, vector<8x1xf32>
        tpu.vector_store %arg7[%swap3A_137, %swap3A_138], %min3A_136 {strides = array<i32>} : memref<16x128xf32, #tpu.memory_space<vmem>>, vector<8x1xf32>,
      } else {
      }
      %convert_element_type3A_124 = arith.sitofp %broadcast_in_dim3A_32 : vector<1x128xi32> to vector<1x128xf32>
      %convert_element_type3A_125 = arith.sitofp %broadcast_in_dim3A_50 : vector<1x128xi32> to vector<1x128xf32>
      %broadcast_in_dim3A_126 = arith.constant 0.000000e+00 : f32
      %broadcast_in_dim3A_127 = vector.broadcast %broadcast_in_dim3A_126 : f32 to vector<1x128xf32>
      %concatenate3A_128 = tpu.concatenate %convert_element_type3A_124, %broadcast_in_dim3A_108, %mul3A_109, %convert_element_type3A_125, %div3A_59, %broadcast_in_dim3A_115, %broadcast_in_dim3A_118, %broadcast_in_dim3A_127 in 0 : vector<1x128xf32>, vector<1x128xf32>, vector<1x128xf32>, vector<1x128xf32>, vector<1x128xf32>, vector<1x128xf32>, vector<1x128xf32>, vector<1x128xf32> -> vector<8x128xf32>
      %mul3A_129 = arith.constant 128 : i32
      %mul3A_130 = arith.muli %arg1, %mul3A_129 : i32
      %swap3A_131 = arith.constant 0 : index
      %swap3A_132 = arith.index_cast %mul3A_130 : i32 to index
      %swap3A_133 = vector.load %arg6[%swap3A_131, %swap3A_132] : memref<8x2048xf32, #tpu.memory_space<vmem>>, vector<8x128xf32>
      tpu.vector_store %arg6[%swap3A_131, %swap3A_132], %concatenate3A_128 {strides = array<i32>} : memref<8x2048xf32, #tpu.memory_space<vmem>>, vector<8x128xf32>,
    } else {
    }
    return
  }
  func.func @transform_0(%arg0: i32, %arg1: i32) -> (i32, i32, i32) {
    %min3A = arith.constant 3 : i32
    %min3A_0 = arith.minsi %arg0, %min3A : i32
    %lt3A = arith.constant 4 : i32
    %lt3A_1 = arith.cmpi slt, %arg0, %lt3A : i32
    %jit3A = arith.constant 0 : i32
    %select_n3A = arith.select %lt3A_1, %arg1, %jit3A : i32
    %c0_i32 = arith.constant 0 : i32
    %c0_i32_2 = arith.constant 0 : i32
    return %min3A_0, %select_n3A, %c0_i32 : i32, i32, i32
  }
  func.func @transform_1(%arg0: i32, %arg1: i32) -> (i32, i32) {
    %c0_i32 = arith.constant 0 : i32
    %c0_i32_0 = arith.constant 0 : i32
    %c0_i32_1 = arith.constant 0 : i32
    return %c0_i32, %c0_i32_0 : i32, i32
  }
  func.func @transform_2(%arg0: i32, %arg1: i32) -> (i32, i32, i32) {
    %gt3A = arith.constant 0 : i32
    %gt3A_0 = arith.cmpi sgt, %arg0, %gt3A : i32
    %sub3A = arith.constant 1 : i32
    %sub3A_1 = arith.subi %arg0, %sub3A : i32
    %mul3A = arith.constant 16 : i32
    %mul3A_2 = arith.muli %sub3A_1, %mul3A : i32
    %add3A = arith.addi %mul3A_2, %arg1 : i32
    %jit3A = arith.constant 0 : i32
    %select_n3A = arith.select %gt3A_0, %add3A, %jit3A : i32
    %c0_i32 = arith.constant 0 : i32
    %c0_i32_3 = arith.constant 0 : i32
    %c0_i32_4 = arith.constant 0 : i32
    return %select_n3A, %c0_i32, %c0_i32_3 : i32, i32, i32
  }
  func.func @transform_3(%arg0: i32, %arg1: i32) -> (i32, i32, i32) {
    %gt3A = arith.constant 0 : i32
    %gt3A_0 = arith.cmpi sgt, %arg0, %gt3A : i32
    %sub3A = arith.constant 1 : i32
    %sub3A_1 = arith.subi %arg0, %sub3A : i32
    %mul3A = arith.constant 16 : i32
    %mul3A_2 = arith.muli %sub3A_1, %mul3A : i32
    %add3A = arith.addi %mul3A_2, %arg1 : i32
    %jit3A = arith.constant 0 : i32
    %select_n3A = arith.select %gt3A_0, %add3A, %jit3A : i32
    %c0_i32 = arith.constant 0 : i32
    %c0_i32_3 = arith.constant 0 : i32
    %c0_i32_4 = arith.constant 0 : i32
    return %select_n3A, %c0_i32, %c0_i32_3 : i32, i32, i32
  }
}

</mosaic_0001>

<sc_bundles>
// kernel: kernel.4.cloned.1.call-start
scs
__scs_entry_jumppad:
0x0: {  	(pc) =	sbr.rel $0x88, $3  }
0x1: {  	(tag) =	ssettag $0x0;
	lr =	simm.s32 $0x1  }
0x2: {  	[smem:$0x3F9F] =	sst lr;
	_ =	strace $0xD0000000  }
0x3: {  	_ = 	snop  }
0x4: {  	_ = 	snop  }
0x5: {  	_ = 	snop  }
0x6: {  	_ = 	snop  }
0x7: {  	_ = 	snop  }
__scs_overlays_trampoline_lowered:
0x8: {  	[smem:$0x3FAE] =	sst s0  }
0x9: {  	[smem:$0x3FAF] =	sst s1  }
0xa: {  	[smem:$0x3FB0] =	sst s2  }
0xb: {  	[smem:$0x3FB1] =	sst s3  }
0xc: {  	[smem:$0x3FB2] =	sst s4  }
0xd: {  	[smem:$0x3FB3] =	sst s5  }
0xe: {  	[smem:$0x3FB4] =	sst s6  }
0xf: {  	[smem:$0x3FB5] =	sst s7  }
0x10: {  	[smem:$0x3FB6] =	sst s8  }
0x11: {  	[smem:$0x3FB7] =	sst s9;
	s0 =	simm.s32 @!p0 $0x0  }
0x12: {  	s1 =	sld [smem:$0x3F9D];
	s0 =	simm.s32 @p0 $0x1  }
0x13: {  	[smem:$0x3FB8] =	sst s0;
	s0 =	simm.s32 @!p1 $0x0  }
0x14: {  	s2 =	sld [smem:$0x3F9C];
	s0 =	simm.s32 @p1 $0x1  }
0x15: {  	[smem:$0x3FB9] =	sst s0;
	s0 =	simm.s32 @!p2 $0x0  }
0x16: {  	s3 =	sld [smem:$0x3FDB];
	s0 =	simm.s32 @p2 $0x1  }
0x17: {  	s4 =	simm.s32 $0x1BF5;
	[smem:$0x3FBB] =	sst s0  }
0x18: {  	s0 =	sld [smem:$0x3F9E];
	_ =	swait.ge [sflag:s4], $0x0  }
0x19: {  	s7 =	sld [smem:$0x3F9F]  }
0x1a: {  	s8 =	sadd.s32 $0xFFFFE003, lr  }
0x1b: {  	s9 =	sadd.s32 $0xFFFFFEF7, lr;
	s5 =	simm.s32 $0xFFFFFFFF;
	p2 =	slt.u32 s8, $0xFFFFF086  }
0x1c: {  	p1 =	slt.u32 s9, $0xF7A;
	s5 =	simm.s32 @!p2 $0x0  }
0x1d: {  	s5 =	simm.s32 @p1 $0x1;
	p0 =	seq.s32 s7, s2  }
0x1e: {  	s7 =	smul.u32 @!p0 $0xF7A, s2;
	p2 =	seq.s32 @!p0 s5, $0x0  }
0x1f: {  	s9 =	smul.u32 $0xF7A, s1;
	s8 =	simm.s32 @!p0 $0x1BF5;
	p2 =	por !p2, p0  }
0x20: {  	[sflag:s8] =	ssyncset.s32 @!p0 $0xFFFFF086;
	s6 =	sadd.s32 @!p0 s3, s7;
	s7 =	simm.s32 @!p0 $0x108  }
0x21: {  	s3 =	sadd.s32 s3, s9;
	s6 =	sadd.s32 @!p0 $0x88, s6;
	s7 =	simm.s32 @p2 $0x1082  }
0x22: {  	[simem:s7], [sflag:s8] =	dma.local @!p0 [hbm:s6], $0xF7A  }
0x23: {  	s9 =	sor.u32 $0xD0000000, s2;
	s6 =	simm.s32 $0x108;
	_ =	swait.ge @!p0 [sflag:s8], $0x0  }
0x24: {  	s3 =	sadd.s32 $0x88, s3;
	s6 =	simm.s32 @!p1 $0x1082;
	[sflag:s4] =	ssyncset.s32 $0xFFFFF086  }
0x25: {  	[simem:s6], [sflag:s4] =	dma.local [hbm:s3], $0xF7A  }
0x26: {  	[smem:$0x3F9F] =	sst s1;
	(tag) =	ssettag s2;
	_ =	strace s9  }
0x27: {  	s1 =	sld [smem:$0x3FAF]  }
0x28: {  	s2 =	sld [smem:$0x3FB0]  }
0x29: {  	s4 =	sld [smem:$0x3FB2]  }
0x2a: {  	p0 =	seq.s32 s5, $0x0;
	s5 =	sld [smem:$0x3FB3]  }
0x2b: {  	s6 =	sld [smem:$0x3FB4]  }
0x2c: {  	s7 =	sld [smem:$0x3FB5]  }
0x2d: {  	s3 =	simm.s32 $0x108;
	s8 =	sld [smem:$0x3FB6]  }
0x2e: {  	s3 =	simm.s32 @!p0 $0x1082;
	s9 =	sld [smem:$0x3FB7]  }
0x2f: {  	lr =	sadd.s32 s0, s3;
	s0 =	sld [smem:$0x3FAE]  }
0x30: {  	s3 =	sld [smem:$0x3FB1]  }
0x31: {  	[smem:$0x3FBA] =	sst s10  }
0x32: {  	s10 =	sld [smem:$0x3FB8];
	_ =	sdelay $0x3  }
0x33: {  	p0 =	seq.s32 s10, $0x1;
	s10 =	sld [smem:$0x3FBA];
	_ =	sdelay $0x3  }
0x34: {  	[smem:$0x3FBA] =	sst s10  }
0x35: {  	s10 =	sld [smem:$0x3FB9];
	_ =	sdelay $0x3  }
0x36: {  	p1 =	seq.s32 s10, $0x1;
	s10 =	sld [smem:$0x3FBA];
	_ =	sdelay $0x3  }
0x37: {  	[smem:$0x3FBA] =	sst s10  }
0x38: {  	s10 =	sld [smem:$0x3FBB]  }
0x39: {  	_ = 	snop;
	(pc) =	sbr.ind lr, $3  }
0x3a: {  	_ = 	snop  }
0x3b: {  	_ = 	snop  }
0x3c: {  	p2 =	seq.s32 s10, $0x1;
	s10 =	sld [smem:$0x3FBA]  }
0x3d: {  	_ =	shalt  }
0x3e: {  	_ =	shalt  }
0x3f: {  	_ =	shalt  }
0x40: {  	_ =	shalt  }
0x41: {  	_ =	shalt  }
0x42: {  	_ =	shalt  }
0x43: {  	_ =	shalt  }
0x44: {  	_ =	shalt  }
0x45: {  	_ =	shalt  }
0x46: {  	_ =	shalt  }
0x47: {  	_ =	shalt  }
0x48: {  	_ =	shalt  }
0x49: {  	_ =	shalt  }
0x4a: {  	_ =	shalt  }
0x4b: {  	_ =	shalt  }
0x4c: {  	_ =	shalt  }
0x4d: {  	_ =	shalt  }
0x4e: {  	_ =	shalt  }
0x4f: {  	_ =	shalt  }
0x50: {  	_ =	shalt  }
0x51: {  	_ =	shalt  }
0x52: {  	_ =	shalt  }
0x53: {  	_ =	shalt  }
0x54: {  	_ =	shalt  }
0x55: {  	_ =	shalt  }
0x56: {  	_ =	shalt  }
0x57: {  	_ =	shalt  }
0x58: {  	_ =	shalt  }
0x59: {  	_ =	shalt  }
0x5a: {  	_ =	shalt  }
0x5b: {  	_ =	shalt  }
0x5c: {  	_ =	shalt  }
0x5d: {  	_ =	shalt  }
0x5e: {  	_ =	shalt  }
0x5f: {  	_ =	shalt  }
0x60: {  	_ =	shalt  }
0x61: {  	_ =	shalt  }
0x62: {  	_ =	shalt  }
0x63: {  	_ =	shalt  }
0x64: {  	_ =	shalt  }
0x65: {  	_ =	shalt  }
0x66: {  	_ =	shalt  }
0x67: {  	_ =	shalt  }
0x68: {  	_ =	shalt  }
0x69: {  	_ =	shalt  }
0x6a: {  	_ =	shalt  }
0x6b: {  	_ =	shalt  }
0x6c: {  	_ =	shalt  }
0x6d: {  	_ =	shalt  }
0x6e: {  	_ =	shalt  }
0x6f: {  	_ =	shalt  }
0x70: {  	_ =	shalt  }
0x71: {  	_ =	shalt  }
0x72: {  	_ =	shalt  }
0x73: {  	_ =	shalt  }
0x74: {  	_ =	shalt  }
0x75: {  	_ =	shalt  }
0x76: {  	_ =	shalt  }
0x77: {  	_ =	shalt  }
0x78: {  	_ =	shalt  }
0x79: {  	_ =	shalt  }
0x7a: {  	_ =	shalt  }
0x7b: {  	_ =	shalt  }
0x7c: {  	_ =	shalt  }
0x7d: {  	_ =	shalt  }
0x7e: {  	_ =	shalt  }
0x7f: {  	_ =	shalt  }
0x80: {  	_ =	shalt  }
0x81: {  	_ =	shalt  }
0x82: {  	_ =	shalt  }
0x83: {  	_ =	shalt  }
0x84: {  	_ =	shalt  }
0x85: {  	_ =	shalt  }
0x86: {  	_ =	shalt  }
0x87: {  	_ =	shalt  }
.Lfunc_end0:
.L_simem_size_0:
called_computation.1_lowered:
.L_overlay_start_0:
0x88: {  	s2 =	sld [smem:$0x3FD9]  }
0x89: {  	s3 =	sld [smem:$0x3FFE];
	_ =	sdelay $0x1  }
0x8a: {  	s1 =	srdreg.scid  }
0x8b: {  	s0 =	sand.u32 $0x1, s1  }
0x8c: {  	s17 =	sshll.u32 s0, $0xA;
	s2 =	sadd.s32 s3, s2  }
0x8d: {  	s2 =	sadd.s32 s2, s17  }
0x8e: {  	[smem:$0x3FC6] =	sst s2  }
0x8f: {  	_ = 	snop  }
0x90: {  	s2 =	sld [smem:$0x3FD0];
	(tm) =	ssettm $0x1  }
0x91: {  	s18 =	sld [smem:$0x3FFB];
	_ =	sdelay $0x3  }
0x92: {  	_ =	strace s18  }
0x93: {  	s3 =	sld [smem:$0x3FFC];
	_ =	sdelay $0x3  }
0x94: {  	_ =	strace s3  }
0x95: {  	s3 =	sld [smem:$0x3FFD];
	_ =	sdelay $0x3  }
0x96: {  	_ =	strace s3  }
0x97: {  	_ =	strace $0x8FFFFFFF  }
0x98: {  	s19 =	sld [smem:$0x3FDB];
	_ =	sdelay $0x1  }
0x99: {  	s4 =	simm.s32 $_scs_section_size  }
0x9a: {  	s5 =	simm.s32 $_size__tile_overlayer_lowered;
	s6 =	simm.s32 $_tile_overlayer_lowered  }
0x9b: {  	s22 =	simm.s32 $0x1BFF;
	s21 =	sshll.u32 s6, $0x1;
	s3 =	sadd.s32 s4, s19  }
0x9c: {  	s7 =	simm.s32 $0x0;
	s20 =	sshll.u32 s5, $0x1;
	s5 =	sadd.s32 s21, s3  }
0x9d: {  	[timem:s7], [sflag:s22] =	dma.local [hbm:s5], s20  }
0x9e: {  	_ =	swait.ge [sflag:s22], s20  }
0x9f: {  	s4 =	ssub.s32 $0x0, s20;
	[sflag:s22] =	ssyncset.done $0x0  }
0xa0: {  	[sflag:s22] =	ssyncadd.s32 s4;
	_ =	sdelay $0x1  }
0xa1: {  	s23 =	simm.s32 $0x1B8B  }
0xa2: {  	_ =	swait.ge [sflag:s23], $0x1  }
0xa3: {  	[sflag:s23] =	ssyncset.done $0x0  }
0xa4: {  	s25 =	simm.s32 $0x1B8E;
	s24 =	sld [smem:$0x3FFE];
	[sflag:s23] =	ssyncadd.s32 $0xFFFFFFFF  }
0xa5: {  	s26 =	simm.s32 $execute0_lowered;
	[smem:$0x3FD2] =	sst s25  }
0xa6: {  	s5 =	sshll.u32 s26, $0x1;
	_ =	strace $0x80000046;
	[dreg:$0x1] =	wrdreg $0xFFFFFFFF  }
0xa7: {  	s28 =	simm.s32 $_size_execute0_lowered;
	s3 =	sadd.s32 s3, s5;
	[dreg:$0x0] =	wrdreg $0x0  }
0xa8: {  	s5 =	sshll.u32 s28, $0x1;
	[dreg:$0x2] =	wrdreg s3  }
0xa9: {  	[dreg:$0x3] =	wrdreg s5  }
0xaa: {  	[dreg:$0x4] =	wrdreg $0xC0  }
0xab: {  	_ =	task [dreg:s7], $0x5FFFF  }
0xac: {  	[dreg:$0x1] =	wrdreg $0xFFFFFFFF  }
0xad: {  	[dreg:$0x0] =	wrdreg $0x60  }
0xae: {  	[dreg:$0x2] =	wrdreg s24  }
0xaf: {  	[dreg:$0x3] =	wrdreg s2  }
0xb0: {  	[dreg:$0x4] =	wrdreg $0x9  }
0xb1: {  	_ =	task.clear_ibuf [dreg:s7], $0x5FFFF;
	_ =	strace $0x90000046  }
0xb2: {  	s29 =	simm.s32 $0x9;
	_ =	strace $0x80000048  }
0xb3: {  	_ =	swait.ge [sflag:s29], $0x1  }
0xb4: {  	[sflag:s29] =	ssyncadd.s32 $0xFFFFFFFF  }
0xb5: {  	_ =	strace $0x90000048  }
0xb6: {  	_ =	sfence  }
0xb7: {  	s30 =	sld [smem:$0x0];
	_ =	sdelay $0x2  }
0xb8: {  	s31 =	sshll.u32 s1, $0xD;
	s1 =	sshrl.u32 s1, $0x2  }
0xb9: {  	s3 =	sand.u32 $0x4000, s31;
	s1 =	sadd.s32 s1, s30  }
0xba: {  	s0 =	sor.u32 s3, s0;
	s1 =	sshll.u32 s1, $0x11  }
0xbb: {  	s0 =	sor.u32 s1, s0  }
0xbc: {  	s0 =	sadd.s32 $0x8F2B, s0  }
0xbd: {  	[sflag:s0] =	ssyncadd.remote.s32 $0x1  }
0xbe: {  	_ =	sfence.sel $0xFFFF  }
0xbf: {  	[dreg:$0x0] =	wrdreg $0xFFFFFFFF;
	(pc) =	sbr.abs _section_cstart, $3  }
0xc0: {  	[dreg:$0x1] =	wrdreg $0xFFFFFFFF  }
0xc1: {  	_ =	task.clear_ibuf [dreg:s7], $0x2FFFF;
	_ =	strace $0x9FFFFFFF  }
0xc2: {  	(tm) =	ssettm $0x7FFFFFFF  }
0xc3: {  	_ =	shalt  }
tec
execute0_lowered:
.L_overlay_start_1:
0x0: {  	(tag) =	ssettag $0x1  }
0x1: {  	s0 =	rddreg [dreg:$0x0];
	s1 =	srdreg.scid  }
0x2: {  	s3 =	stileid.u32;
	s2 =	rddreg [dreg:$0x1]  }
0x3: {  	s19 =	simm.s32 $0x10000;
	s20 =	simm.s32 $0x3;
	s21 =	simm.s32 $0x10200  }
0x4: {  	s22 =	simm.s32 $0x10100;
	s23 =	simm.s32 $0x10300;
	s24 =	simm.s32 $0x1  }
0x5: {  	s25 =	simm.s32 $0x80;
	s26 =	simm.s32 $0x2;
	s29 =	simm.s32 $0x10280  }
0x6: {  	s30 =	simm.s32 $0x10180;
	s31 =	simm.s32 $0x10380;
	s1 =	sand.u32 $0x1, s1  }
0x7: {  	s4 =	sshll.u32 s3, $0x1;
	s3 =	simm.s32 $0x0;
	s16 =	sadd.s32 $0xE00, s0  }
0x8: {  	s0 =	sadd.s32 $0x1600, s0;
	s12 =	sor.u32 s1, s4;
	s1 =	ssub.s32 $0x2, s1  }
0x9: {  	[smem:$0x7FF] =	sst s3;
	s4 =	smul.u32 $0xA0000, s12;
	s5 =	sshrl.u32 s1, $0x1  }
0xa: {  	_ =	strace $0x80000047;
	s15 =	sshll.u32 s12, $0x6;
	s1 =	ssub.s32 s1, s5  }
0xb: {  	s17 =	sor.u32 $0x20, s15;
	s14 =	sadd.s32 s16, s15;
	s15 =	sadd.s32 s0, s15  }
0xc: {  	s4 =	sshrl.u32 s4, $0x3;
	s16 =	sadd.s32 s16, s17;
	s17 =	sadd.s32 s0, s17  }
0xd: {  	s18 =	smax.u32 s1, $0x1;
	s1 =	simm.s32 $0x0;
	s4 =	sadd.s32 s2, s4  }
0xe: {  	s5 =	sadd.s32 $0x2000, s4;
	s6 =	sadd.s32 $0x4000, s4;
	s7 =	sadd.s32 $0x6000, s4  }
0xf: {  	s8 =	sadd.s32 $0x8000, s4;
	s9 =	sadd.s32 $0xA000, s4;
	s10 =	sadd.s32 $0xC000, s4  }
0x10: {  	v0 =	vimm.f32 $0.0e+00;
	s11 =	sadd.s32 $0xE000, s4;
	s12 =	sadd.s32 $0x10000, s4;
	s13 =	sadd.s32 $0x12000, s4  }
.LBB2_1:
0x11: {  	s0 =	simm.s32 $0x40;
	s28 =	simm.s32 $0x0  }
.LBB2_2:
0x12: {  	p0 =	sne.s32 s0, $0x3FFC0;
	[tilespmem:s28+$0x0] =	vst v0;
	s28 =	smov.u32 s0;
	s0 =	sadd.s32 $0x40, s0  }
.Ltmp0:
0x13: {  	(pc) =	sbr.rel @p0 .LBB2_2-.Ltmp0, $2  }
0x14: {  	_ =	sdelay $0x2  }
0x15: {  	s28 =	sshra.s32 s28, $0x2  }
0x16: {  	[tilespmem:s28+$0x0] =	vst v0  }
0x17: {  	[hbm4b:s4+s3] =	stream.linear.scatter [tilespmem:s3], [sflag:$0x1], $0x10000, $0x38;
	[tilespmem:$0x10400] =	vst v63  }
0x18: {  	_ = 	snop  }
0x19: {  	[hbm4b:s5+s3] =	stream.linear.scatter [tilespmem:s3], [sflag:$0x1], $0x10000, $0x38;
	[tilespmem:$0x10400] =	vst v63  }
0x1a: {  	_ = 	snop  }
0x1b: {  	[hbm4b:s6+s3] =	stream.linear.scatter [tilespmem:s3], [sflag:$0x1], $0x10000, $0x38;
	[tilespmem:$0x10400] =	vst v63  }
0x1c: {  	_ = 	snop  }
0x1d: {  	[hbm4b:s7+s3] =	stream.linear.scatter [tilespmem:s3], [sflag:$0x1], $0x10000, $0x38;
	[tilespmem:$0x10400] =	vst v63  }
0x1e: {  	_ = 	snop  }
0x1f: {  	[hbm4b:s8+s3] =	stream.linear.scatter [tilespmem:s3], [sflag:$0x1], $0x10000, $0x38;
	[tilespmem:$0x10400] =	vst v63  }
0x20: {  	_ = 	snop  }
0x21: {  	[hbm4b:s9+s3] =	stream.linear.scatter [tilespmem:s3], [sflag:$0x1], $0x10000, $0x38;
	[tilespmem:$0x10400] =	vst v63  }
0x22: {  	_ = 	snop  }
0x23: {  	[hbm4b:s10+s3] =	stream.linear.scatter [tilespmem:s3], [sflag:$0x1], $0x10000, $0x38;
	[tilespmem:$0x10400] =	vst v63  }
0x24: {  	_ = 	snop  }
0x25: {  	[hbm4b:s11+s3] =	stream.linear.scatter [tilespmem:s3], [sflag:$0x1], $0x10000, $0x38;
	[tilespmem:$0x10400] =	vst v63  }
0x26: {  	_ = 	snop  }
0x27: {  	[hbm4b:s12+s3] =	stream.linear.scatter [tilespmem:s3], [sflag:$0x1], $0x10000, $0x38;
	[tilespmem:$0x10400] =	vst v63  }
0x28: {  	_ = 	snop  }
0x29: {  	[hbm4b:s13+s3] =	stream.linear.scatter [tilespmem:s3], [sflag:$0x1], $0x10000, $0x38;
	[tilespmem:$0x10400] =	vst v63  }
0x2a: {  	_ = 	snop  }
0x2b: {  	[tilespmem:s19], [sflag:$0x3] =	stream.linear.gather [hbm4b:s14+s3], $0x100, $0x38;
	[tilespmem:$0x10400] =	vst v63  }
0x2c: {  	_ =	swait.ge [sflag:s20], $0x100  }
0x2d: {  	[sflag:s20] =	ssyncset.done $0x0  }
0x2e: {  	[sflag:s20] =	ssyncadd.s32 $0xFFFFFF00  }
0x2f: {  	[tilespmem:s21], [sflag:$0x3] =	stream.linear.gather [hbm4b:s15+s3], $0x100, $0x38;
	[tilespmem:$0x10400] =	vst v63  }
0x30: {  	_ =	swait.ge [sflag:s20], $0x100  }
0x31: {  	[sflag:s20] =	ssyncset.done $0x0  }
0x32: {  	[sflag:s20] =	ssyncadd.s32 $0xFFFFFF00  }
0x33: {  	[tilespmem:s22], [sflag:$0x3] =	stream.linear.gather [hbm4b:s16+s3], $0x100, $0x38;
	[tilespmem:$0x10400] =	vst v63  }
0x34: {  	_ =	swait.ge [sflag:s20], $0x100  }
0x35: {  	[sflag:s20] =	ssyncset.done $0x0  }
0x36: {  	[sflag:s20] =	ssyncadd.s32 $0xFFFFFF00  }
0x37: {  	[tilespmem:s23], [sflag:$0x3] =	stream.linear.gather [hbm4b:s17+s3], $0x100, $0x38;
	[tilespmem:$0x10400] =	vst v63  }
0x38: {  	_ =	swait.ge [sflag:s20], $0x100  }
0x39: {  	[sflag:s20] =	ssyncset.done $0x0  }
0x3a: {  	[sflag:s20] =	ssyncadd.s32 $0xFFFFFF00  }
0x3b: {  	_ =	swait.ge [sflag:s24], $0x10000  }
0x3c: {  	[sflag:s24] =	ssyncset.done $0x0  }
0x3d: {  	[sflag:s24] =	ssyncadd.s32 $0xFFFF0000  }
0x3e: {  	_ =	swait.ge [sflag:s24], $0x10000  }
0x3f: {  	[sflag:s24] =	ssyncset.done $0x0  }
0x40: {  	[sflag:s24] =	ssyncadd.s32 $0xFFFF0000  }
0x41: {  	_ =	swait.ge [sflag:s24], $0x10000  }
0x42: {  	[sflag:s24] =	ssyncset.done $0x0  }
0x43: {  	[sflag:s24] =	ssyncadd.s32 $0xFFFF0000  }
0x44: {  	_ =	swait.ge [sflag:s24], $0x10000  }
0x45: {  	[sflag:s24] =	ssyncset.done $0x0  }
0x46: {  	[sflag:s24] =	ssyncadd.s32 $0xFFFF0000  }
0x47: {  	_ =	swait.ge [sflag:s24], $0x10000  }
0x48: {  	[sflag:s24] =	ssyncset.done $0x0  }
0x49: {  	[sflag:s24] =	ssyncadd.s32 $0xFFFF0000  }
0x4a: {  	_ =	swait.ge [sflag:s24], $0x10000  }
0x4b: {  	[sflag:s24] =	ssyncset.done $0x0  }
0x4c: {  	[sflag:s24] =	ssyncadd.s32 $0xFFFF0000  }
0x4d: {  	_ =	swait.ge [sflag:s24], $0x10000  }
0x4e: {  	[sflag:s24] =	ssyncset.done $0x0  }
0x4f: {  	[sflag:s24] =	ssyncadd.s32 $0xFFFF0000  }
0x50: {  	_ =	swait.ge [sflag:s24], $0x10000  }
0x51: {  	[sflag:s24] =	ssyncset.done $0x0  }
0x52: {  	[sflag:s24] =	ssyncadd.s32 $0xFFFF0000  }
0x53: {  	_ =	swait.ge [sflag:s24], $0x10000  }
0x54: {  	[sflag:s24] =	ssyncset.done $0x0  }
0x55: {  	[sflag:s24] =	ssyncadd.s32 $0xFFFF0000  }
0x56: {  	_ =	swait.ge [sflag:s24], $0x10000  }
0x57: {  	[sflag:s24] =	ssyncset.done $0x0  }
0x58: {  	[sflag:s24] =	ssyncadd.s32 $0xFFFF0000  }
0x59: {  	[hbm4b:s2+s25] =	stream.indirect.scatter [tilespmem:s21], [sflag:$0x2], $0x1, s19, s25, $0xb8;
	[tilespmem:$0x10400] =	vst v63  }
0x5a: {  	_ =	swait.ge [sflag:s26], $0x80  }
0x5b: {  	[sflag:s26] =	ssyncset.done $0x0  }
0x5c: {  	s0 =	simm.s32 $0x10080;
	[sflag:s26] =	ssyncadd.s32 $0xFFFFFF80  }
0x5d: {  	[hbm4b:s2+s25] =	stream.indirect.scatter [tilespmem:s29], [sflag:$0x2], $0x1, s0, s25, $0xb8;
	[tilespmem:$0x10400] =	vst v63  }
0x5e: {  	_ =	swait.ge [sflag:s26], $0x80  }
0x5f: {  	[sflag:s26] =	ssyncset.done $0x0  }
0x60: {  	[sflag:s26] =	ssyncadd.s32 $0xFFFFFF80  }
0x61: {  	[hbm4b:s2+s25] =	stream.indirect.scatter [tilespmem:s23], [sflag:$0x2], $0x1, s22, s25, $0xb8;
	[tilespmem:$0x10400] =	vst v63  }
0x62: {  	s1 =	sadd.s32 $0x1, s1;
	_ =	swait.ge [sflag:s26], $0x80  }
0x63: {  	p0 =	sne.s32 s1, s18;
	[sflag:s26] =	ssyncset.done $0x0  }
.Ltmp1:
0x64: {  	[sflag:s26] =	ssyncadd.s32 $0xFFFFFF80;
	(pc) =	sbr.rel @p0 .LBB2_1-.Ltmp1, $4  }
0x65: {  	[hbm4b:s2+s25] =	stream.indirect.scatter [tilespmem:s31], [sflag:$0x2], $0x1, s30, s25, $0xb8;
	[tilespmem:$0x10400] =	vst v63  }
0x66: {  	_ =	swait.ge [sflag:s26], $0x80  }
0x67: {  	[sflag:s26] =	ssyncset.done $0x0  }
0x68: {  	[sflag:s26] =	ssyncadd.s32 $0xFFFFFF80  }
0x69: {  	_ =	sfence.sel $0x180000  }
0x6a: {  	[bflag:$0x0] =	sbarrier.arrive $0xFFFF  }
0x6b: {  	_ =	strace $0x90000047  }
0x6c: {  	s0 =	stileid.u32;
	[bflag:$0x2] =	sbarrier.arrive $0xFFFF  }
0x6d: {  	p0 =	sne.s32 s0, $0x0;
	s0 =	rddreg [dreg:$0x2]  }
0x6e: {  	s0 =	sadd.s32 @!p0 $0x100000, s0  }
0x6f: {  	[sflag:s0] =	ssyncadd.tile.s32 @!p0 $0x1;
	_ =	shalt  }
.Lfunc_end2:
_tile_overlayer_lowered:
.L_overlay_start_2:
0x70: {  	(tag) =	ssettag $0x2  }
0x71: {  	s0 =	rddreg [dreg:$0x0];
	s2 =	stileid.u32  }
0x72: {  	s1 =	rddreg [dreg:$0x1];
	p0 =	sne.s32 s2, $0x0  }
0x73: {  	s3 =	rddreg [dreg:$0x2];
	[bflag:$0x3] =	sbarrier.arrive $0xFFFF;
	s2 =	simm.s32 @!p0 $0x1C03  }
0x74: {  	[timem:s3], [sflag:s2] =	dma.local @!p0 [hbm:s0], s1  }
0x75: {  	s0 =	simm.s32 @!p0 $0x3  }
0x76: {  	_ =	swait.ge @!p0 [sflag:s0], s1  }
0x77: {  	s1 =	ssub.s32 @!p0 $0x0, s1;
	[sflag:s0] =	ssyncset.done @!p0 $0x0  }
0x78: {  	[sflag:s0] =	ssyncadd.s32 @!p0 s1  }
0x79: {  	[bflag:$0x3] =	sbarrier.arrive $0xFFFF  }
0x7a: {  	_ =	shalt  }

// kernel: sparse-core-data-format-call.cloned.1.call-start
scs
called_computation_lowered:
.L_overlay_start_0:
0x0: {  	s2 =	sld [smem:$0x3FD9]  }
0x1: {  	s3 =	sld [smem:$0x3FFE];
	_ =	sdelay $0x1  }
0x2: {  	s1 =	srdreg.scid  }
0x3: {  	s0 =	sand.u32 $0x1, s1  }
0x4: {  	s18 =	sshll.u32 s0, $0xA;
	s2 =	sadd.s32 s3, s2  }
0x5: {  	s2 =	sadd.s32 s2, s18  }
0x6: {  	[smem:$0x3FC6] =	sst s2  }
0x7: {  	_ = 	snop  }
0x8: {  	s2 =	sld [smem:$0x3FD0];
	(tm) =	ssettm $0x1  }
0x9: {  	s19 =	sld [smem:$0x3FFB];
	_ =	sdelay $0x3  }
0xa: {  	_ =	strace s19  }
0xb: {  	s3 =	sld [smem:$0x3FFC];
	_ =	sdelay $0x3  }
0xc: {  	_ =	strace s3  }
0xd: {  	s3 =	sld [smem:$0x3FFD];
	_ =	sdelay $0x3  }
0xe: {  	_ =	strace s3  }
0xf: {  	_ =	strace $0x8FFFFFFF  }
0x10: {  	s20 =	sld [smem:$0x3FDB];
	_ =	sdelay $0x1  }
0x11: {  	s4 =	simm.s32 $_scs_section_size  }
0x12: {  	s5 =	simm.s32 $_size__tile_overlayer_lowered;
	s6 =	simm.s32 $_tile_overlayer_lowered  }
0x13: {  	s23 =	simm.s32 $0x1BFF;
	s22 =	sshll.u32 s6, $0x1;
	s3 =	sadd.s32 s4, s20  }
0x14: {  	s7 =	simm.s32 $0x0;
	s21 =	sshll.u32 s5, $0x1;
	s5 =	sadd.s32 s22, s3  }
0x15: {  	[timem:s7], [sflag:s23] =	dma.local [hbm:s5], s21  }
0x16: {  	_ =	swait.ge [sflag:s23], s21  }
0x17: {  	s4 =	ssub.s32 $0x0, s21;
	[sflag:s23] =	ssyncset.done $0x0  }
0x18: {  	[sflag:s23] =	ssyncadd.s32 s4;
	_ =	sdelay $0x1  }
0x19: {  	s24 =	simm.s32 $0x1B8B  }
0x1a: {  	_ =	swait.ge [sflag:s24], $0x1  }
0x1b: {  	[sflag:s24] =	ssyncset.done $0x0  }
0x1c: {  	s26 =	simm.s32 $0x1B8E;
	s25 =	sld [smem:$0x3FFE];
	[sflag:s24] =	ssyncadd.s32 $0xFFFFFFFF  }
0x1d: {  	s27 =	simm.s32 $execute0_lowered;
	[smem:$0x3FD2] =	sst s26  }
0x1e: {  	s5 =	sshll.u32 s27, $0x1;
	_ =	strace $0x80000049;
	[dreg:$0x1] =	wrdreg $0xFFFFFFFF  }
0x1f: {  	s28 =	simm.s32 $_size_execute0_lowered;
	s3 =	sadd.s32 s3, s5;
	[dreg:$0x0] =	wrdreg $0x0  }
0x20: {  	s5 =	sshll.u32 s28, $0x1;
	[dreg:$0x2] =	wrdreg s3  }
0x21: {  	[dreg:$0x3] =	wrdreg s5  }
0x22: {  	[dreg:$0x4] =	wrdreg $0xC0  }
0x23: {  	_ =	task [dreg:s7], $0x5FFFF  }
0x24: {  	[dreg:$0x1] =	wrdreg $0xFFFFFFFF  }
0x25: {  	[dreg:$0x0] =	wrdreg $0x60  }
0x26: {  	[dreg:$0x2] =	wrdreg s25  }
0x27: {  	[dreg:$0x3] =	wrdreg s2  }
0x28: {  	[dreg:$0x4] =	wrdreg $0x9  }
0x29: {  	_ =	task.clear_ibuf [dreg:s7], $0x5FFFF;
	_ =	strace $0x90000049  }
0x2a: {  	s29 =	simm.s32 $0x9;
	_ =	strace $0x8000004B  }
0x2b: {  	_ =	swait.ge [sflag:s29], $0x1  }
0x2c: {  	[sflag:s29] =	ssyncadd.s32 $0xFFFFFFFF  }
0x2d: {  	_ =	strace $0x9000004B  }
0x2e: {  	_ =	sfence  }
0x2f: {  	s30 =	sld [smem:$0x0];
	_ =	sdelay $0x2  }
0x30: {  	s31 =	sshll.u32 s1, $0xD;
	s1 =	sshrl.u32 s1, $0x2  }
0x31: {  	s3 =	sand.u32 $0x4000, s31;
	s1 =	sadd.s32 s1, s30  }
0x32: {  	s0 =	sor.u32 s3, s0;
	s1 =	sshll.u32 s1, $0x11  }
0x33: {  	s0 =	sor.u32 s1, s0  }
0x34: {  	s0 =	sadd.s32 $0x8F2B, s0  }
0x35: {  	[sflag:s0] =	ssyncadd.remote.s32 $0x1  }
0x36: {  	_ =	sfence.sel $0xFFFF  }
0x37: {  	[dreg:$0x0] =	wrdreg $0xFFFFFFFF;
	(pc) =	sbr.abs _section_cstart, $3  }
0x38: {  	[dreg:$0x1] =	wrdreg $0xFFFFFFFF  }
0x39: {  	_ =	task.clear_ibuf [dreg:s7], $0x2FFFF;
	_ =	strace $0x9FFFFFFF  }
0x3a: {  	(tm) =	ssettm $0x7FFFFFFF  }
0x3b: {  	_ =	shalt  }
tec
execute0_lowered:
.L_overlay_start_1:
0x0: {  	(tag) =	ssettag $0x1  }
0x1: {  	s0 =	stileid.u32  }
0x2: {  	s1 =	srdreg.scid;
	s5 =	rddreg [dreg:$0x0]  }
0x3: {  	s6 =	simm.s32 $0x1;
	_ =	strace $0x8000004A;
	s8 =	simm.s32 $0x2  }
0x4: {  	s19 =	simm.s32 $0x0;
	s2 =	sshll.u32 s0, $0x5;
	s1 =	sshll.u32 s1, $0x9  }
0x5: {  	s9 =	simm.s32 $0x4000;
	s21 =	simm.s32 $0x0;
	s1 =	sor.u32 s2, s1  }
0x6: {  	s20 =	simm.s32 $0x0;
	s22 =	simm.s32 $0x0;
	s2 =	sand.u32 $0x380, s1  }
0x7: {  	s10 =	simm.s32 $0x0;
	s12 =	simm.s32 $0x0;
	s4 =	ssub.s32 $0x800, s2  }
0x8: {  	s13 =	simm.s32 $0x0;
	s14 =	simm.s32 $0x0;
	s31 =	sand.u32 $0x380, s4  }
0x9: {  	s15 =	simm.s32 $0x0;
	s7 =	sand.u32 $0x3, s0;
	p0 =	sne.s32 s31, $0x0  }
.Ltmp0:
0xa: {  	s4 =	sshrl.u32 s4, $0xA;
	s6 =	simm.s32 @!p0 $0x0;
	(pc) =	sbr.rel .LBB1_1-.Ltmp0, $4  }
0xb: {  	s18 =	simm.s32 $0x0;
	s17 =	smov.u32 s7;
	s6 =	sadd.s32 s6, s4  }
0xc: {  	s4 =	sadd.s32 $0xE00, s5;
	s5 =	simm.s32 $0x1;
	s6 =	smul.u32 $0x18, s6  }
0xd: {  	s1 =	simm.s32 $0x0;
	s16 =	smov.u32 s2;
	[sflag:s5] =	ssyncpa.u1 $0x0  }
0xe: {  	p0 =	por $0x0, $0x0;
	[sflag:s8] =	ssyncpa.u1 $0x0;
	s8 =	sor.u32 $0x1, s6  }
.LBB1_4:
0xf: {  	v5 =	vld [tilespmem:s24+$0xFFFFFFD0]  }
0x10: {  	v58 =	vld [tilespmem:s24+$0xFFFFFFE0]  }
0x11: {  	v59 =	vld [tilespmem:s24+$0xFFFFFFF0]  }
0x12: {  	s27 =	sshra.s32 s27, $0x2;
	v60 =	vld [tilespmem:s24+$0x0]  }
0x13: {  	s3 =	sshll.u32 s10, $0xB;
	p1 =	sgt.s32 s13, $0x3;
	s28 =	smov.u32 s13;
	v61 =	vld [tilespmem:s24+$0x10]  }
0x14: {  	s29 =	sshra.s32 s13, $0x1F;
	s30 =	sshll.u32 s12, $0x3;
	s11 =	sand.u32 $0x78, s12;
	v62 =	vld [tilespmem:s24+$0x20]  }
0x15: {  	v63 =	vld [tilespmem:s24+$0xFFFFFFC0];
	s24 =	smul.u32 $0xA0000, s13;
	s26 =	sadd.s32 s27, s26;
	s28 =	simm.s32 @!p1 $0x3  }
0x16: {  	s29 =	sand.u32 s29, s13;
	s27 =	sand.u32 $0xFFFFC000, s3;
	s31 =	sand.u32 $0xFFFFFC00, s30  }
0x17: {  	s30 =	sand.u32 $0x400, s30;
	s3 =	sshra.s32 s12, $0x1F;
	s28 =	ssub.s32 s28, s29  }
0x18: {  	s27 =	sadd.s32 s31, s27;
	s29 =	sor.u32 s11, s30;
	s30 =	smov.u32 s12  }
0x19: {  	s11 =	smov.u32 s1;
	s31 =	sand.u32 s3, s12;
	s0 =	sadd.s32 $0xFFFFFFFD, s28  }
0x1a: {  	s3 =	sshra.s32 s10, $0x1F;
	s28 =	ssub.s32 $0x4, s28;
	p1 =	sgt.s32 s0, $0x0  }
0x1b: {  	s27 =	sshrl.u32 s27, $0xB;
	s28 =	simm.s32 @p1 $0x0;
	p1 =	sgt.s32 s12, $0x780  }
0x1c: {  	s0 =	sshra.s32 s1, $0x1F;
	s30 =	simm.s32 @!p1 $0x780;
	p1 =	sgt.s32 s1, $0x7  }
0x1d: {  	s3 =	sand.u32 s3, s10;
	s0 =	sand.u32 s0, s1;
	s11 =	simm.s32 @!p1 $0x7  }
0x1e: {  	s30 =	ssub.s32 s30, s31;
	p1 =	sgt.s32 s10, $0xC0;
	s0 =	ssub.s32 s11, s0  }
0x1f: {  	[tilespmem:s25+$0x2040 ss:$0x81] =	vst.msk $0xffff, v4;
	s11 =	smov.u32 s10;
	s31 =	sadd.s32 $0xFFFFF880, s30;
	s30 =	ssub.s32 $0x800, s30  }
0x20: {  	[tilespmem:s25+$0x2850 ss:$0x81] =	vst.msk $0xffff, v3;
	s11 =	simm.s32 @!p1 $0xC0;
	p1 =	sgt.s32 s31, $0x7F;
	s31 =	sadd.s32 $0xFFFFFFF9, s0  }
0x21: {  	[tilespmem:s25+$0x3060 ss:$0x81] =	vst.msk $0xffff, v2;
	s30 =	simm.s32 @p1 $0x0;
	p1 =	sgt.s32 s31, $0x0;
	s31 =	smulhi.u32 $0xCCCCCD, s27  }
0x22: {  	[tilespmem:s25+$0x0 ss:$0x81] =	vst.msk $0xffff, v1;
	s0 =	ssub.s32 $0x8, s0;
	s3 =	ssub.s32 s11, s3;
	s11 =	smul.u32 s28, s30  }
0x23: {  	[tilespmem:s26+$0x3870 ss:$0x81] =	vst.msk $0xffff, v0;
	s30 =	sshll.u32 s10, $0x7;
	s0 =	simm.s32 @p1 $0x0;
	s28 =	smul.u32 $0x140, s31  }
0x24: {  	[tilespmem:s26+$0x810 ss:$0x81] =	vst.msk $0xffff, v5;
	s25 =	sand.u32 $0x380, s30;
	s31 =	sadd.s32 $0xFFFFFF40, s3;
	s30 =	smul.u32 $0x14000, s1  }
0x25: {  	[tilespmem:s26+$0x1020 ss:$0x81] =	vst.msk $0xffff, v58;
	s3 =	ssub.s32 $0x140, s3;
	s0 =	smul.u32 s0, s11;
	p1 =	sgt.s32 s31, $0x7F  }
0x26: {  	[tilespmem:s26+$0x1830 ss:$0x81] =	vst.msk $0xffff, v59;
	s29 =	sor.u32 s25, s29;
	s31 =	rddreg [dreg:$0x1];
	s3 =	simm.s32 @p1 $0x0  }
0x27: {  	[tilespmem:s26+$0x2040 ss:$0x81] =	vst.msk $0xffff, v60;
	s27 =	ssub.s32 s27, s28;
	s0 =	smul.u32 s3, s0;
	s3 =	sadd.s32 s31, s24  }
0x28: {  	[tilespmem:s26+$0x2850 ss:$0x81] =	vst.msk $0xffff, v61;
	s28 =	sshrl.u32 s29, $0x3;
	s29 =	sand.u32 $0x7, s12;
	s3 =	sadd.s32 s30, s3  }
0x29: {  	[tilespmem:s26+$0x3060 ss:$0x81] =	vst.msk $0xffff, v62;
	s31 =	sshll.u32 s29, $0x12;
	s30 =	sshll.u32 s27, $0x8;
	s3 =	sadd.s32 s28, s3  }
0x2a: {  	[tilespmem:s26+$0x0 ss:$0x81] =	vst.msk $0xffff, v63;
	s11 =	sor.u32 $0x400, s31;
	s0 =	sand.u32 $0x3FFFFFFF, s0;
	s3 =	sadd.s32 s30, s3  }
0x2b: {  	[hbm4b:s3+s11] =	stream.strided.scatter [tilespmem:s23], [sflag:$0x2], s0, s9, s11, $0x20;
	[tilespmem:$0x10100] =	vst v63  }
.LBB1_5:
0x2c: {  	p1 =	slt.u32 s18, $0x2;
	s0 =	smov.u32 s22  }
0x2d: {  	s23 =	sadd.s32 $0x80, s14;
	s24 =	smov.u32 s16;
	s25 =	smov.u32 s17  }
0x2e: {  	p0 =	por !p0, !p0;
	p2 =	sgt.s32 @!p1 s22, $0x3;
	s3 =	sshra.s32 @!p1 s22, $0x1F  }
0x2f: {  	s11 =	sshra.s32 @!p1 s21, $0x1F;
	p3 =	sgt.s32 @!p1 s20, $0x780;
	p2 =	por !p2, p1  }
0x30: {  	s3 =	sand.u32 @!p1 s3, s22;
	s11 =	sand.u32 @!p1 s11, s21;
	s0 =	simm.s32 @p2 $0x3  }
0x31: {  	p3 =	por !p3, p1;
	p2 =	sgt.s32 @!p1 s21, $0x7;
	s0 =	ssub.s32 @!p1 s0, s3  }
0x32: {  	p2 =	por !p2, p1;
	s3 =	smov.u32 s21;
	s21 =	sadd.s32 @!p1 $0xFFFFFFFD, s0  }
0x33: {  	s3 =	simm.s32 @p2 $0x7;
	s0 =	ssub.s32 @!p1 $0x4, s0;
	p2 =	sgt.s32 @!p1 s21, $0x0  }
0x34: {  	s3 =	ssub.s32 @!p1 s3, s11;
	s21 =	sshra.s32 @!p1 s20, $0x1F;
	p2 =	por !p2, p1  }
0x35: {  	s11 =	sadd.s32 @!p1 $0xFFFFFFF9, s3;
	s3 =	ssub.s32 @!p1 $0x8, s3;
	s0 =	simm.s32 @!p2 $0x0  }
0x36: {  	p2 =	sgt.s32 @!p1 s11, $0x0;
	s11 =	smov.u32 s20;
	s20 =	sand.u32 @!p1 s21, s20  }
0x37: {  	s21 =	sshra.s32 @!p1 s19, $0x1F;
	s11 =	simm.s32 @p3 $0x780;
	p3 =	sgt.s32 @!p1 s19, $0xC0  }
0x38: {  	p2 =	por !p2, p1;
	s11 =	ssub.s32 @!p1 s11, s20;
	p3 =	por !p3, p1  }
0x39: {  	s20 =	smov.u32 s19;
	s19 =	sand.u32 @!p1 s21, s19;
	s21 =	sadd.s32 @!p1 $0xFFFFF880, s11  }
0x3a: {  	s3 =	simm.s32 @!p2 $0x0;
	s20 =	simm.s32 @p3 $0xC0;
	p2 =	sgt.s32 @!p1 s21, $0x7F  }
0x3b: {  	s11 =	ssub.s32 @!p1 $0x800, s11;
	s19 =	ssub.s32 @!p1 s20, s19;
	p2 =	por !p2, p1  }
0x3c: {  	s22 =	smov.u32 s13;
	s20 =	sadd.s32 @!p1 $0xFFFFFF40, s19;
	s11 =	simm.s32 @!p2 $0x0  }
0x3d: {  	p2 =	sgt.s32 s23, $0x13F;
	s0 =	smul.u32 @!p1 s0, s11;
	s11 =	simm.s32 $0x1  }
0x3e: {  	s19 =	ssub.s32 @!p1 $0x140, s19;
	p3 =	sgt.s32 @!p1 s20, $0x7F;
	s11 =	simm.s32 @!p2 $0x0  }
0x3f: {  	p3 =	por !p3, p1;
	s0 =	smul.u32 @!p1 s3, s0;
	s3 =	sadd.s32 s11, s15  }
0x40: {  	s19 =	simm.s32 @!p3 $0x0;
	s11 =	sadd.s32 $0x400, s16;
	p3 =	sgt.s32 s3, $0x7  }
0x41: {  	s13 =	smov.u32 s17;
	s21 =	smov.u32 s1;
	s24 =	smov.u32 @p3 s11  }
0x42: {  	s23 =	simm.s32 @p2 $0x0;
	s11 =	sadd.s32 $0x4, s17;
	p2 =	sgt.s32 s24, $0x7FF  }
0x43: {  	s1 =	smov.u32 s15;
	s20 =	smov.u32 s12;
	s25 =	smov.u32 @p2 s11  }
0x44: {  	s12 =	smov.u32 s16;
	s24 =	smov.u32 @p2 s2;
	p2 =	sgt.s32 s25, $0x3  }
0x45: {  	s0 =	smul.u32 @!p1 s19, s0;
	s25 =	smov.u32 @p2 s7;
	p2 =	sne.s32 s18, s8  }
.Ltmp1:
0x46: {  	s3 =	simm.s32 @p3 $0x0;
	s19 =	smov.u32 s10;
	(pc) =	sbr.rel @!p2 .LBB1_6-.Ltmp1, $4  }
0x47: {  	s10 =	smov.u32 s14;
	s0 =	sand.u32 @!p1 $0x3FFFFFFF, s0;
	s11 =	simm.s32 @!p1 $0x2  }
0x48: {  	s14 =	smov.u32 s23;
	s15 =	smov.u32 s3;
	_ =	swait.ge @!p1 [sflag:s11], s0  }
0x49: {  	s0 =	ssub.s32 @!p1 $0x0, s0;
	s16 =	smov.u32 s24;
	[sflag:s11] =	ssyncset.done @!p1 $0x0  }
0x4a: {  	s18 =	sadd.s32 $0x1, s18;
	[sflag:s11] =	ssyncadd.s32 @!p1 s0;
	s17 =	smov.u32 s25  }
.LBB1_1:
0x4b: {  	p1 =	sge.u32 s18, s6  }
0x4c: {  	s23 =	sshrl.u32 @!p1 s15, $0x3  }
0x4d: {  	s24 =	sshll.u32 @!p1 s14, $0x3;
	s23 =	smul.u32 @!p1 $0xC00, s23  }
0x4e: {  	s25 =	sshll.u32 @!p1 s15, $0x7;
	s24 =	sand.u32 @!p1 $0xFFFFFC00, s24  }
0x4f: {  	s23 =	sadd.s32 @!p1 s23, s24;
	s24 =	sand.u32 @!p1 $0x380, s25  }
0x50: {  	s25 =	sand.u32 @!p1 $0x7F, s14;
	s23 =	sor.u32 @!p1 s24, s23  }
0x51: {  	s24 =	sor.u32 @!p1 s25, s23  }
0x52: {  	s25 =	smulhi.u32 @!p1 $0xAAAAAAAB, s24  }
0x53: {  	s23 =	smulhi.u32 @!p1 $0xAAAAAAAB, s23  }
0x54: {  	s31 =	sadd.s32 $0xFFFFFFFF, s18;
	s27 =	smul.u32 @!p1 $0xC0000, s17;
	s25 =	sshrl.u32 @!p1 s25, $0x8  }
0x55: {  	s26 =	sxor.u32 @!p1 $0xFFFFFFFF, s18;
	s23 =	sshrl.u32 @!p1 s23, $0x8;
	s25 =	smul.u32 @!p1 $0x180, s25  }
0x56: {  	s28 =	smul.u32 @!p1 $0x180, s16;
	s26 =	sshll.u32 @!p1 s26, $0xE;
	s23 =	sand.u32 @!p1 $0x7, s23  }
0x57: {  	s23 =	smul.u32 @!p1 $0x30, s23;
	s24 =	ssub.s32 @!p1 s24, s25;
	s25 =	sadd.s32 @!p1 s4, s27  }
0x58: {  	s26 =	sand.u32 @!p1 $0x4000, s26;
	s25 =	sadd.s32 @!p1 s28, s25;
	s27 =	sand.u32 @!p1 $0x7, s24  }
0x59: {  	s24 =	sshrl.u32 @!p1 s24, $0x3;
	s23 =	sadd.s32 @!p1 s23, s25;
	s25 =	sshll.u32 @!p1 s27, $0x12  }
0x5a: {  	s23 =	sadd.s32 @!p1 s24, s23;
	s24 =	sor.u32 @!p1 $0x80, s25;
	s25 =	simm.s32 @!p1 $0xC00  }
0x5b: {  	[tilespmem:s26], [sflag:$0x1] =	stream.strided.gather @!p1 [hbm4b:s23+s24], $0x4000, s25, s24, $0x38;
	[tilespmem:$0x10100] =	vst v63  }
0x5c: {  	p1 =	sge.u32 s31, s6  }
.Ltmp2:
0x5d: {  	_ = 	snop;
	(pc) =	sbr.rel @p1 .LBB1_5-.Ltmp2, $1  }
0x5e: {  	_ =	sdelay $0x3  }
0x5f: {  	s23 =	simm.s32 $0x1  }
0x60: {  	_ =	swait.ge [sflag:s5], $0x4000;
	s23 =	simm.s32 @!p0 $0x0  }
0x61: {  	[sflag:s5] =	ssyncset.done $0x0;
	s24 =	sshll.u32 s23, $0xE  }
0x62: {  	[sflag:s5] =	ssyncadd.s32 $0xFFFFC000;
	s24 =	sor.u32 $0x40, s24  }
0x63: {  	s23 =	smul.u32 $0x10200, s23;
	v0 =	vld [tilespmem:s24+$0x30]  }
0x64: {  	v1 =	vld [tilespmem:s24+$0xFFFFFFD0]  }
0x65: {  	s23 =	sshrl.u32 s23, $0x2;
	v5 =	vld [tilespmem:s24+$0xFFFFFFE0]  }
0x66: {  	v6 =	vld [tilespmem:s24+$0xFFFFFFF0];
	s26 =	sor.u32 $0x8000, s23  }
0x67: {  	s31 =	sand.u32 $0x1, s18;
	v4 =	vld [tilespmem:s24+$0x0];
	s25 =	sadd.s32 $0x0, s26  }
0x68: {  	v3 =	vld [tilespmem:s24+$0x10];
	s23 =	smul.u32 $0x10200, s31;
	[tilespmem:s25+$0x3870 ss:$0x81] =	vst.msk $0xffff, v0  }
0x69: {  	v2 =	vld [tilespmem:s24+$0x20];
	[tilespmem:s25+$0x810 ss:$0x81] =	vst.msk $0xffff, v1  }
0x6a: {  	s23 =	sshrl.u32 s23, $0x2;
	v1 =	vld [tilespmem:s24+$0xFFFFFFC0];
	[tilespmem:s25+$0x1020 ss:$0x81] =	vst.msk $0xffff, v5;
	s24 =	sadd.s32 $0x80, s24  }
0x6b: {  	s27 =	simm.s32 $0x4;
	s28 =	simm.s32 $0x8;
	s23 =	sor.u32 $0x8000, s23;
	[tilespmem:s25+$0x1830 ss:$0x81] =	vst.msk $0xffff, v6;
	v0 =	vld [tilespmem:s24+$0x30]  }
.LBB1_3:
0x6c: {  	p1 =	sne.s32 s28, $0x1FC;
	v5 =	vld [tilespmem:s24+$0xFFFFFFD0];
	[tilespmem:s25+$0x2040 ss:$0x81] =	vst.msk $0xffff, v4  }
0x6d: {  	v6 =	vld [tilespmem:s24+$0xFFFFFFE0];
	[tilespmem:s25+$0x2850 ss:$0x81] =	vst.msk $0xffff, v3  }
0x6e: {  	s29 =	sshra.s32 s27, $0x2;
	s27 =	smov.u32 s28;
	v7 =	vld [tilespmem:s24+$0xFFFFFFF0];
	[tilespmem:s25+$0x3060 ss:$0x81] =	vst.msk $0xffff, v2  }
.Ltmp3:
0x6f: {  	v4 =	vld [tilespmem:s24+$0x0];
	[tilespmem:s25+$0x0 ss:$0x81] =	vst.msk $0xffff, v1;
	s25 =	sadd.s32 s29, s26;
	(pc) =	sbr.rel @p1 .LBB1_3-.Ltmp3, $4  }
0x70: {  	v3 =	vld [tilespmem:s24+$0x10];
	[tilespmem:s25+$0x3870 ss:$0x81] =	vst.msk $0xffff, v0  }
0x71: {  	[tilespmem:s25+$0x810 ss:$0x81] =	vst.msk $0xffff, v5;
	v2 =	vld [tilespmem:s24+$0x20]  }
0x72: {  	v1 =	vld [tilespmem:s24+$0xFFFFFFC0];
	[tilespmem:s25+$0x1020 ss:$0x81] =	vst.msk $0xffff, v6;
	s24 =	sadd.s32 $0x80, s24  }
0x73: {  	s28 =	sadd.s32 $0x4, s28;
	v0 =	vld [tilespmem:s24+$0x30];
	[tilespmem:s25+$0x1830 ss:$0x81] =	vst.msk $0xffff, v7  }
.Ltmp4:
0x74: {  	_ = 	snop;
	(pc) =	sbr.rel .LBB1_4-.Ltmp4, $1  }
0x75: {  	_ =	sdelay $0x3  }
.LBB1_6:
0x76: {  	_ =	sfence.sel $0x180000  }
0x77: {  	s0 =	simm.s32 $0x1;
	[bflag:$0x0] =	sbarrier.arrive $0xFFFF  }
0x78: {  	s30 =	simm.s32 $0x2;
	[sflag:s0] =	ssyncpa.u1 $0x1  }
0x79: {  	[sflag:s30] =	ssyncpa.u1 $0x1  }
0x7a: {  	_ =	strace $0x9000004A  }
0x7b: {  	s31 =	stileid.u32;
	[bflag:$0x2] =	sbarrier.arrive $0xFFFF  }
0x7c: {  	p0 =	sne.s32 s31, $0x0;
	s0 =	rddreg [dreg:$0x2]  }
0x7d: {  	s0 =	sadd.s32 @!p0 $0x100000, s0  }
0x7e: {  	[sflag:s0] =	ssyncadd.tile.s32 @!p0 $0x1;
	_ =	shalt  }
.Lfunc_end1:
_tile_overlayer_lowered:
.L_overlay_start_2:
0x7f: {  	(tag) =	ssettag $0x2  }
0x80: {  	s0 =	rddreg [dreg:$0x0];
	s2 =	stileid.u32  }
0x81: {  	s1 =	rddreg [dreg:$0x1];
	p0 =	sne.s32 s2, $0x0  }
0x82: {  	s3 =	rddreg [dreg:$0x2];
	[bflag:$0x3] =	sbarrier.arrive $0xFFFF;
	s2 =	simm.s32 @!p0 $0x1C01  }
0x83: {  	[timem:s3], [sflag:s2] =	dma.local @!p0 [hbm:s0], s1  }
0x84: {  	s0 =	simm.s32 @!p0 $0x1  }
0x85: {  	_ =	swait.ge @!p0 [sflag:s0], s1  }
0x86: {  	s1 =	ssub.s32 @!p0 $0x0, s1;
	[sflag:s0] =	ssyncset.done @!p0 $0x0  }
0x87: {  	[sflag:s0] =	ssyncadd.s32 @!p0 s1  }
0x88: {  	[bflag:$0x3] =	sbarrier.arrive $0xFFFF  }
0x89: {  	_ =	shalt  }

</sc_bundles>
